<compile_context>
chip_gen: v7x
topology: tpu7x:2x2x1
jax: 0.10.2.dev20260603
libtpu: 0.0.44.dev20260713+nightly
codegen_flags: <defaults>
</compile_context>

<pallas_src>
import functools
import math

import jax
import jax.numpy as jnp
import numpy as np
from jax import lax
from jax.experimental import pallas as pl
from jax.experimental.pallas import tpu as pltpu
from jax.experimental.pallas import tpu_sc as plsc

N_NODES = 10000
N_EDGES = 320000
F = 128
D = 4

NC, NS = 2, 16
NW = NC * NS
EB = 128
EPB = EB * NW
NB = 80
NBUF = 4
DDEPTH = 8
EPAD = NB * EPB
NPAD = 10240
RSF = NPAD // NS
RB = 512
GRID = NPAD // RB


def _bern_coeffs(d):
    thetas = []
    for i in range(d):
        beta_val = math.factorial(i) * math.factorial(d - i) / math.factorial(d + 1)
        c1 = np.zeros(i + 1)
        c1[i] = 0.5 ** i
        c2 = np.array([math.comb(d - i, j) * (-0.5) ** j for j in range(d - i + 1)])
        c = np.polynomial.polynomial.polymul(c1, c2) / (2.0 * beta_val)
        c = np.concatenate([c, np.zeros(max(0, d + 1 - c.shape[0]))])
        thetas.append([float(c[j]) for j in range(d)])
    return thetas


_COEF = _bern_coeffs(D)

_mesh = plsc.VectorSubcoreMesh(core_axis_name="c", subcore_axis_name="s")


@functools.partial(
    pl.kernel,
    out_type=jax.ShapeDtypeStruct((NC, NPAD, F), jnp.float32),
    mesh=_mesh,
    scratch_types=[
        pltpu.VMEM((NB, EB), jnp.int32),
        pltpu.VMEM((EB, F), jnp.float32),
        pltpu.VMEM_SHARED((NPAD, F), jnp.float32),
        pltpu.SemaphoreType.DMA,
    ],
)
def _sc_degree(src_hbm, ones_hbm, zeros_hbm, out_hbm, idx_v, ones_v, acc_sh, sem_s):
    c = lax.axis_index("c")
    s = lax.axis_index("s")
    r0 = s * RSF
    pltpu.sync_copy(zeros_hbm.at[pl.ds(r0, RSF)], acc_sh.at[pl.ds(r0, RSF)])
    pltpu.sync_copy(ones_hbm, ones_v)
    plsc.subcore_barrier()
    w = c * NS + s
    pltpu.sync_copy(src_hbm.at[pl.ds(w * NB, NB)], idx_v)

    def _drain1():
        pltpu.make_async_copy(zeros_hbm.at[pl.ds(0, EB)], ones_v, sem_s).wait()

    for i in range(DDEPTH):
        pltpu.async_copy(ones_v, acc_sh.at[idx_v.at[i]], sem_s, add=True)

    def body(b, carry):
        _drain1()
        pltpu.async_copy(ones_v, acc_sh.at[idx_v.at[b + DDEPTH]], sem_s, add=True)
        return carry

    lax.fori_loop(0, NB - DDEPTH, body, 0)
    for i in range(DDEPTH):
        _drain1()
    plsc.subcore_barrier()
    pltpu.sync_copy(acc_sh.at[pl.ds(r0, RSF)], out_hbm.at[c, pl.ds(r0, RSF)])


@functools.partial(
    pl.kernel,
    out_type=jax.ShapeDtypeStruct((NC, NPAD, F), jnp.float32),
    mesh=_mesh,
    scratch_types=[
        pltpu.VMEM((EB,), jnp.int32),
        pltpu.VMEM((EB,), jnp.int32),
        pltpu.VMEM((EB, F), jnp.float32),
        pltpu.VMEM_SHARED((NPAD, F), jnp.float32),
        pltpu.SemaphoreType.DMA,
    ],
)
def _sc_aggregate(xs_hbm, src_hbm, dst_hbm, zeros_hbm, out_hbm,
                  si_v, di_v, rows_v, acc_sh, sem_g):
    c = lax.axis_index("c")
    s = lax.axis_index("s")
    r0 = s * RSF
    pltpu.sync_copy(zeros_hbm.at[pl.ds(r0, RSF)], acc_sh.at[pl.ds(r0, RSF)])
    plsc.subcore_barrier()
    w = c * NS + s

    def body(b, carry):
        off = (w * NB + b) * EB
        pltpu.sync_copy(src_hbm.at[pl.ds(off, EB)], si_v)
        pltpu.sync_copy(dst_hbm.at[pl.ds(off, EB)], di_v)
        pltpu.async_copy(xs_hbm.at[si_v], rows_v, sem_g).wait()
        pltpu.sync_copy(rows_v, acc_sh.at[di_v], add=True)
        return carry

    lax.fori_loop(0, NB, body, 0)
    plsc.subcore_barrier()
    pltpu.sync_copy(acc_sh.at[pl.ds(r0, RSF)], out_hbm.at[c, pl.ds(r0, RSF)])


def _tc_pre_body(x_ref, w_ref, b_ref, degp_ref, h_ref, xs_ref, di_ref):
    deg = degp_ref[0][:, 0:1] + degp_ref[1][:, 0:1]
    di = lax.rsqrt(jnp.maximum(deg, 1.0))
    h = jnp.dot(x_ref[...], w_ref[...], preferred_element_type=jnp.float32)
    h = h + b_ref[...]
    h = jnp.where(h >= 0, h, 0.01 * h)
    h_ref[...] = h
    xs_ref[...] = h * di
    di_ref[...] = di


_tc_pre = pl.pallas_call(
    _tc_pre_body,
    grid=(GRID,),
    in_specs=[
        pl.BlockSpec((RB, F), lambda i: (i, 0)),
        pl.BlockSpec((F, F), lambda i: (0, 0)),
        pl.BlockSpec((1, F), lambda i: (0, 0)),
        pl.BlockSpec((NC, RB, F), lambda i: (0, i, 0)),
    ],
    out_specs=[
        pl.BlockSpec((RB, F), lambda i: (i, 0)),
        pl.BlockSpec((RB, F), lambda i: (i, 0)),
        pl.BlockSpec((RB, 1), lambda i: (i, 0)),
    ],
    out_shape=[
        jax.ShapeDtypeStruct((NPAD, F), jnp.float32),
        jax.ShapeDtypeStruct((NPAD, F), jnp.float32),
        jax.ShapeDtypeStruct((NPAD, 1), jnp.float32),
    ],
)


def _tc_step_body(f_ref, parts_ref, di_ref, fn_ref, xsn_ref):
    di = di_ref[...]
    agg = parts_ref[0] + parts_ref[1]
    fn = f_ref[...] - agg * di
    fn_ref[...] = fn
    xsn_ref[...] = fn * di


_tc_step = pl.pallas_call(
    _tc_step_body,
    grid=(GRID,),
    in_specs=[
        pl.BlockSpec((RB, F), lambda i: (i, 0)),
        pl.BlockSpec((NC, RB, F), lambda i: (0, i, 0)),
        pl.BlockSpec((RB, 1), lambda i: (i, 0)),
    ],
    out_specs=[
        pl.BlockSpec((RB, F), lambda i: (i, 0)),
        pl.BlockSpec((RB, F), lambda i: (i, 0)),
    ],
    out_shape=[
        jax.ShapeDtypeStruct((NPAD, F), jnp.float32),
        jax.ShapeDtypeStruct((NPAD, F), jnp.float32),
    ],
)


RBL = 400
GRIDL = N_NODES // RBL


def _tc_last_body(f0_ref, f1_ref, f2_ref, parts_ref, di_ref, out_ref):
    di = di_ref[...]
    f3 = f2_ref[...] - (parts_ref[0] + parts_ref[1]) * di
    fs = (f0_ref[...], f1_ref[...], f2_ref[...], f3)
    for i in range(D):
        acc = _COEF[i][0] * fs[0]
        for k in range(1, D):
            acc = acc + _COEF[i][k] * fs[k]
        out_ref[:, i * F:(i + 1) * F] = acc


_tc_last = pl.pallas_call(
    _tc_last_body,
    grid=(GRIDL,),
    in_specs=[
        pl.BlockSpec((RBL, F), lambda i: (i, 0)),
        pl.BlockSpec((RBL, F), lambda i: (i, 0)),
        pl.BlockSpec((RBL, F), lambda i: (i, 0)),
        pl.BlockSpec((NC, RBL, F), lambda i: (0, i, 0)),
        pl.BlockSpec((RBL, 1), lambda i: (i, 0)),
    ],
    out_specs=pl.BlockSpec((RBL, D * F), lambda i: (i, 0)),
    out_shape=jax.ShapeDtypeStruct((N_NODES, D * F), jnp.float32),
)


def kernel(x, edge_index, W, b):
    src = edge_index[0].astype(jnp.int32)
    dst = edge_index[1].astype(jnp.int32)
    pad = N_NODES + (jnp.arange(EPAD - N_EDGES, dtype=jnp.int32)
                     % (NPAD - N_NODES))
    src_p = jnp.concatenate([src, pad])
    dst_p = jnp.concatenate([dst, pad])
    src_2d = src_p.reshape(NW * NB, EB)
    xp = jnp.pad(x, ((0, NPAD - N_NODES), (0, 0)))

    onesF = jnp.ones((EB, F), jnp.float32)
    zerosF = jnp.zeros((NPAD, F), jnp.float32)

    degp = _sc_degree(src_2d, onesF, zerosF)
    h, xs, dinv = _tc_pre(xp, W, b.reshape(1, F), degp)

    feats = [h]
    f = h
    for _ in range(D - 2):
        parts = _sc_aggregate(xs, src_p, dst_p, zerosF)
        f, xs = _tc_step(f, parts, dinv)
        feats.append(f)

    parts = _sc_aggregate(xs, src_p, dst_p, zerosF)
    return _tc_last(feats[0], feats[1], feats[2], parts, dinv)

# --- scband reference (transcript-rebuilt; emitter-appended) ---
"""Pipeline reference for scband-bwgnn-31602369364073 (READ-ONLY COPY).

The authoritative reference and input builder live on the scoring server;
editing this copy changes nothing except your own understanding.
"""

import jax, jax.numpy as jnp
import numpy as np
import math

N_NODES = 10000
N_EDGES = 320000
IN_FEATS = 128
H_FEATS = 128
D = 4


def _calc_thetas(d):
    # Bernstein-basis (beta-distribution) polynomial coefficients, matching
    # calculate_theta2: p_i(x) = (x/2)^i * (1-x/2)^(d-i) / (2*beta(i+1, d+1-i)),
    # keeping coefficients of x^0 .. x^(d-1) (the x^d term is dropped, as in the original).
    thetas = []
    for i in range(d):
        beta_val = math.factorial(i) * math.factorial(d - i) / math.factorial(d + 1)
        c1 = np.zeros(i + 1)
        c1[i] = 0.5 ** i
        c2 = np.array([math.comb(d - i, j) * (-0.5) ** j for j in range(d - i + 1)])
        c = np.polynomial.polynomial.polymul(c1, c2) / (2.0 * beta_val)
        c = np.concatenate([c, np.zeros(max(0, d + 1 - c.shape[0]))])
        thetas.append([float(c[j]) for j in range(d)])
    return thetas


def setup_inputs(seed: int = 0) -> dict:
    key = jax.random.key(seed)
    k1, k2, k3 = jax.random.split(key, 3)
    x = jax.random.normal(k1, (N_NODES, IN_FEATS), dtype=jnp.float32)
    edge_index = jax.random.randint(k2, (2, N_EDGES), 0, N_NODES, dtype=jnp.int64)
    W = jax.random.normal(k3, (IN_FEATS, H_FEATS), dtype=jnp.float32) * 0.05
    b = jnp.zeros((H_FEATS,), dtype=jnp.float32)
    return {"x": x, "edge_index": edge_index, "W": W, "b": b}


def reference(x, edge_index, W, b):
    N = x.shape[0]
    src = edge_index[0]
    dst = edge_index[1]
    # out_degrees: number of edges where node is the source
    deg = jax.ops.segment_sum(jnp.ones(src.shape[0], dtype=x.dtype), src, num_segments=N)
    d_invsqrt = jnp.clip(deg, 1.0) ** -0.5
    d_invsqrt = d_invsqrt[:, None]

    # h = act(linear(in_feat)), LeakyReLU(0.01)
    h = x @ W + b
    h = jnp.where(h >= 0, h, 0.01 * h)

    thetas = _calc_thetas(D)

    def unn_laplacian(feat):
        m = (feat * d_invsqrt)[src]
        agg = jax.ops.segment_sum(m, dst, num_segments=N)
        return feat - agg * d_invsqrt

    outs = []
    for theta in thetas:
        feat = h
        acc = theta[0] * feat
        for k in range(1, len(theta)):
            feat = unn_laplacian(feat)
            acc = acc + theta[k] * feat
        outs.append(acc)
    return jnp.concatenate(outs, axis=1)

if __name__ == "__main__":
    import jax
    _d = setup_inputs()
    print(jax.jit(kernel)(*tuple(_d.values())))

</pallas_src>

<mosaic_0001>
#map = affine_map<(d0, d1) -> (0, 0)>
#map1 = affine_map<(d0, d1) -> (0)>
#map2 = affine_map<(d0, d1) -> (0, 0, 0)>
module attributes {stable_mosaic.version = 14 : i64} {
  func.func @_sc_aggregate(%arg0: i32, %arg1: i32, %arg2: memref<10240x128xf32, #tpu.memory_space<hbm>>, %arg3: memref<327680xi32, #tpu.memory_space<hbm>>, %arg4: memref<327680xi32, #tpu.memory_space<hbm>>, %arg5: memref<10240x128xf32, #tpu.memory_space<hbm>>, %arg6: memref<2x10240x128xf32, #tpu.memory_space<hbm>>, %arg7: memref<128xi32, #tpu.memory_space<vmem>>, %arg8: memref<128xi32, #tpu.memory_space<vmem>>, %arg9: memref<128x128xf32, #tpu.memory_space<vmem>>, %arg10: memref<10240x128xf32, #tpu.memory_space<vmem_shared>>, %arg11: memref<!tpu.dma_semaphore, #tpu.memory_space<semaphore_mem>>) attributes {dimension_semantics = [#tpu.dimension_semantics<core_parallel>, #tpu.dimension_semantics<subcore_parallel>], iteration_bounds = array<i64: 2, 16>, scalar_prefetch = 0 : i64, scratch_operands = 5 : i64, tpu.core_type = #tpu.core_type<sc_vector_subcore>, window_params = [{transform_indices = #map}, {transform_indices = #map1}, {transform_indices = #map1}, {transform_indices = #map}, {transform_indices = #map2}]} {
    %mul3A = arith.constant 640 : i32
    %mul3A_0 = arith.muli %arg1, %mul3A : i32
    "tpu.region"() ({
      %run_scoped3A = tpu.sem_alloc : memref<!tpu.dma_semaphore, #tpu.memory_space<semaphore_mem>>
      %dma_start3A = arith.constant 0 : i32
      %dma_start3A_9 = tpu.memref_slice %arg10[%mul3A_0, %dma_start3A] : memref<10240x128xf32, #tpu.memory_space<vmem_shared>> -> memref<640x128xf32, #tpu.memory_space<vmem_shared>>
      %dma_start3A_10 = arith.constant 0 : i32
      %dma_start3A_11 = tpu.memref_slice %arg5[%mul3A_0, %dma_start3A_10] : memref<10240x128xf32, #tpu.memory_space<hbm>> -> memref<640x128xf32, #tpu.memory_space<hbm>>
      tpu.enqueue_dma source(%dma_start3A_11 : memref<640x128xf32, #tpu.memory_space<hbm>>) target(%dma_start3A_9 : memref<640x128xf32, #tpu.memory_space<vmem_shared>>) target_semaphore(%run_scoped3A : memref<!tpu.dma_semaphore, #tpu.memory_space<semaphore_mem>>)
      %dma_wait3A = arith.constant 0 : i32
      %dma_wait3A_12 = tpu.memref_slice %arg10[%mul3A_0, %dma_wait3A] : memref<10240x128xf32, #tpu.memory_space<vmem_shared>> -> memref<640x128xf32, #tpu.memory_space<vmem_shared>>
      %dma_wait3A_13 = arith.constant 0 : i32
      %dma_wait3A_14 = tpu.memref_slice %arg5[%mul3A_0, %dma_wait3A_13] : memref<10240x128xf32, #tpu.memory_space<hbm>> -> memref<640x128xf32, #tpu.memory_space<hbm>>
      tpu.wait_dma2 semaphore(%run_scoped3A : memref<!tpu.dma_semaphore, #tpu.memory_space<semaphore_mem>>) src(%dma_wait3A_14 : memref<640x128xf32, #tpu.memory_space<hbm>>) dst(%dma_wait3A_12 : memref<640x128xf32, #tpu.memory_space<vmem_shared>>)
      tpu.yield
    }) : () -> ()
    %barrier3A = arith.constant 0 : index
    tpu.barrier barrier_id(%barrier3A)
    %mul3A_1 = arith.constant 16 : i32
    %mul3A_2 = arith.muli %arg0, %mul3A_1 : i32
    %add3A = arith.addi %mul3A_2, %arg1 : i32
    %scan3A = arith.constant 0 : i32
    %scan3A_3 = arith.constant 0 : i32
    %scan3A_4 = arith.constant 80 : i32
    %scan3A_5 = arith.addi %scan3A_3, %scan3A_4 : i32
    %scan3A_6 = arith.constant 1 : i32
    scf.for %scan3A_9 = %scan3A_3 to %scan3A_5 step %scan3A_6  : i32 {
      %mul3A_10 = arith.constant 80 : i32
      %mul3A_11 = arith.muli %add3A, %mul3A_10 : i32
      %add3A_12 = arith.addi %mul3A_11, %scan3A_9 : i32
      %mul3A_13 = arith.constant 128 : i32
      %mul3A_14 = arith.muli %add3A_12, %mul3A_13 : i32
      "tpu.region"() ({
        %run_scoped3A = tpu.sem_alloc : memref<!tpu.dma_semaphore, #tpu.memory_space<semaphore_mem>>
        %dma_start3A_19 = tpu.memref_slice %arg3[%mul3A_14] : memref<327680xi32, #tpu.memory_space<hbm>> -> memref<128xi32, #tpu.memory_space<hbm>>
        %dma_start3A_20 = tpu.memref_slice %arg3[%mul3A_14] : memref<327680xi32, #tpu.memory_space<hbm>> -> memref<128xi32, #tpu.memory_space<hbm>>
        tpu.enqueue_dma source(%dma_start3A_20 : memref<128xi32, #tpu.memory_space<hbm>>) target(%arg7 : memref<128xi32, #tpu.memory_space<vmem>>) target_semaphore(%run_scoped3A : memref<!tpu.dma_semaphore, #tpu.memory_space<semaphore_mem>>)
        %dma_wait3A_21 = tpu.memref_slice %arg3[%mul3A_14] : memref<327680xi32, #tpu.memory_space<hbm>> -> memref<128xi32, #tpu.memory_space<hbm>>
        %dma_wait3A_22 = tpu.memref_slice %arg3[%mul3A_14] : memref<327680xi32, #tpu.memory_space<hbm>> -> memref<128xi32, #tpu.memory_space<hbm>>
        tpu.wait_dma2 semaphore(%run_scoped3A : memref<!tpu.dma_semaphore, #tpu.memory_space<semaphore_mem>>) src(%dma_wait3A_22 : memref<128xi32, #tpu.memory_space<hbm>>) dst(%arg7 : memref<128xi32, #tpu.memory_space<vmem>>)
        tpu.yield
      }) : () -> ()
      "tpu.region"() ({
        %run_scoped3A = tpu.sem_alloc : memref<!tpu.dma_semaphore, #tpu.memory_space<semaphore_mem>>
        %dma_start3A_19 = tpu.memref_slice %arg4[%mul3A_14] : memref<327680xi32, #tpu.memory_space<hbm>> -> memref<128xi32, #tpu.memory_space<hbm>>
        %dma_start3A_20 = tpu.memref_slice %arg4[%mul3A_14] : memref<327680xi32, #tpu.memory_space<hbm>> -> memref<128xi32, #tpu.memory_space<hbm>>
        tpu.enqueue_dma source(%dma_start3A_20 : memref<128xi32, #tpu.memory_space<hbm>>) target(%arg8 : memref<128xi32, #tpu.memory_space<vmem>>) target_semaphore(%run_scoped3A : memref<!tpu.dma_semaphore, #tpu.memory_space<semaphore_mem>>)
        %dma_wait3A_21 = tpu.memref_slice %arg4[%mul3A_14] : memref<327680xi32, #tpu.memory_space<hbm>> -> memref<128xi32, #tpu.memory_space<hbm>>
        %dma_wait3A_22 = tpu.memref_slice %arg4[%mul3A_14] : memref<327680xi32, #tpu.memory_space<hbm>> -> memref<128xi32, #tpu.memory_space<hbm>>
        tpu.wait_dma2 semaphore(%run_scoped3A : memref<!tpu.dma_semaphore, #tpu.memory_space<semaphore_mem>>) src(%dma_wait3A_22 : memref<128xi32, #tpu.memory_space<hbm>>) dst(%arg8 : memref<128xi32, #tpu.memory_space<vmem>>)
        tpu.yield
      }) : () -> ()
      %dma_start3A = arith.constant 0 : i32
      %dma_start3A_15 = arith.constant 0 : i32
      %dma_start3A_16 = tpu.memref_slice %arg2[%dma_start3A, %dma_start3A_15] : memref<10240x128xf32, #tpu.memory_space<hbm>> -> memref<10240x128xf32, #tpu.memory_space<hbm>>
      tpu.enqueue_indirect_dma source(%dma_start3A_16 : memref<10240x128xf32, #tpu.memory_space<hbm>>) target(%arg9 : memref<128x128xf32, #tpu.memory_space<vmem>>) offsets(%arg7 : memref<128xi32, #tpu.memory_space<vmem>>) semaphore(%arg11 : memref<!tpu.dma_semaphore, #tpu.memory_space<semaphore_mem>>)
      %dma_wait3A = arith.constant 0 : i32
      %dma_wait3A_17 = arith.constant 0 : i32
      %dma_wait3A_18 = tpu.memref_slice %arg2[%dma_wait3A, %dma_wait3A_17] : memref<10240x128xf32, #tpu.memory_space<hbm>> -> memref<10240x128xf32, #tpu.memory_space<hbm>>
      tpu.wait_indirect_dma semaphore(%arg11 : memref<!tpu.dma_semaphore, #tpu.memory_space<semaphore_mem>>) src(%dma_wait3A_18 : memref<10240x128xf32, #tpu.memory_space<hbm>>) dst(%arg9 : memref<128x128xf32, #tpu.memory_space<vmem>>)
      "tpu.region"() ({
        %run_scoped3A = tpu.sem_alloc : memref<!tpu.dma_semaphore, #tpu.memory_space<semaphore_mem>>
        %dma_start3A_19 = arith.constant 0 : i32
        %dma_start3A_20 = arith.constant 0 : i32
        %dma_start3A_21 = tpu.memref_slice %arg10[%dma_start3A_19, %dma_start3A_20] : memref<10240x128xf32, #tpu.memory_space<vmem_shared>> -> memref<10240x128xf32, #tpu.memory_space<vmem_shared>>
        tpu.enqueue_indirect_dma source(%arg9 : memref<128x128xf32, #tpu.memory_space<vmem>>) target(%dma_start3A_21 : memref<10240x128xf32, #tpu.memory_space<vmem_shared>>) offsets(%arg8 : memref<128xi32, #tpu.memory_space<vmem>>) semaphore(%run_scoped3A : memref<!tpu.dma_semaphore, #tpu.memory_space<semaphore_mem>>) {add = true}
        %dma_wait3A_22 = arith.constant 0 : i32
        %dma_wait3A_23 = arith.constant 0 : i32
        %dma_wait3A_24 = tpu.memref_slice %arg10[%dma_wait3A_22, %dma_wait3A_23] : memref<10240x128xf32, #tpu.memory_space<vmem_shared>> -> memref<10240x128xf32, #tpu.memory_space<vmem_shared>>
        tpu.wait_indirect_dma semaphore(%run_scoped3A : memref<!tpu.dma_semaphore, #tpu.memory_space<semaphore_mem>>) src(%arg9 : memref<128x128xf32, #tpu.memory_space<vmem>>) dst(%dma_wait3A_24 : memref<10240x128xf32, #tpu.memory_space<vmem_shared>>)
        tpu.yield
      }) : () -> ()
    }
    %scan3A_7 = arith.constant 80 : i32
    %barrier3A_8 = arith.constant 0 : index
    tpu.barrier barrier_id(%barrier3A_8)
    "tpu.region"() ({
      %run_scoped3A = tpu.sem_alloc : memref<!tpu.dma_semaphore, #tpu.memory_space<semaphore_mem>>
      %dma_start3A = arith.constant 0 : i32
      %dma_start3A_9 = tpu.memref_slice %arg6[%arg0, %mul3A_0, %dma_start3A] : memref<2x10240x128xf32, #tpu.memory_space<hbm>> -> memref<1x640x128xf32, #tpu.memory_space<hbm>>
      %dma_start3A_10 = tpu.memref_squeeze %dma_start3A_9 : memref<1x640x128xf32, #tpu.memory_space<hbm>> -> memref<640x128xf32, #tpu.memory_space<hbm>>
      %dma_start3A_11 = arith.constant 0 : i32
      %dma_start3A_12 = tpu.memref_slice %arg10[%mul3A_0, %dma_start3A_11] : memref<10240x128xf32, #tpu.memory_space<vmem_shared>> -> memref<640x128xf32, #tpu.memory_space<vmem_shared>>
      tpu.enqueue_dma source(%dma_start3A_12 : memref<640x128xf32, #tpu.memory_space<vmem_shared>>) target(%dma_start3A_10 : memref<640x128xf32, #tpu.memory_space<hbm>>) target_semaphore(%run_scoped3A : memref<!tpu.dma_semaphore, #tpu.memory_space<semaphore_mem>>)
      %dma_wait3A = arith.constant 0 : i32
      %dma_wait3A_13 = tpu.memref_slice %arg6[%arg0, %mul3A_0, %dma_wait3A] : memref<2x10240x128xf32, #tpu.memory_space<hbm>> -> memref<1x640x128xf32, #tpu.memory_space<hbm>>
      %dma_wait3A_14 = tpu.memref_squeeze %dma_wait3A_13 : memref<1x640x128xf32, #tpu.memory_space<hbm>> -> memref<640x128xf32, #tpu.memory_space<hbm>>
      %dma_wait3A_15 = arith.constant 0 : i32
      %dma_wait3A_16 = tpu.memref_slice %arg10[%mul3A_0, %dma_wait3A_15] : memref<10240x128xf32, #tpu.memory_space<vmem_shared>> -> memref<640x128xf32, #tpu.memory_space<vmem_shared>>
      tpu.wait_dma2 semaphore(%run_scoped3A : memref<!tpu.dma_semaphore, #tpu.memory_space<semaphore_mem>>) src(%dma_wait3A_16 : memref<640x128xf32, #tpu.memory_space<vmem_shared>>) dst(%dma_wait3A_14 : memref<640x128xf32, #tpu.memory_space<hbm>>)
      tpu.yield
    }) : () -> ()
    return
  }
}

#map = affine_map<(d0, d1) -> (0, 0)>
#map1 = affine_map<(d0, d1) -> (0, 0, 0)>
module attributes {stable_mosaic.version = 14 : i64} {
  func.func @_sc_degree(%arg0: i32, %arg1: i32, %arg2: memref<2560x128xi32, #tpu.memory_space<hbm>>, %arg3: memref<128x128xf32, #tpu.memory_space<hbm>>, %arg4: memref<10240x128xf32, #tpu.memory_space<hbm>>, %arg5: memref<2x10240x128xf32, #tpu.memory_space<hbm>>, %arg6: memref<80x128xi32, #tpu.memory_space<vmem>>, %arg7: memref<128x128xf32, #tpu.memory_space<vmem>>, %arg8: memref<10240x128xf32, #tpu.memory_space<vmem_shared>>, %arg9: memref<!tpu.dma_semaphore, #tpu.memory_space<semaphore_mem>>) attributes {dimension_semantics = [#tpu.dimension_semantics<core_parallel>, #tpu.dimension_semantics<subcore_parallel>], iteration_bounds = array<i64: 2, 16>, scalar_prefetch = 0 : i64, scratch_operands = 4 : i64, tpu.core_type = #tpu.core_type<sc_vector_subcore>, window_params = [{transform_indices = #map}, {transform_indices = #map}, {transform_indices = #map}, {transform_indices = #map1}]} {
    %mul3A = arith.constant 640 : i32
    %mul3A_0 = arith.muli %arg1, %mul3A : i32
    "tpu.region"() ({
      %run_scoped3A = tpu.sem_alloc : memref<!tpu.dma_semaphore, #tpu.memory_space<semaphore_mem>>
      %dma_start3A_113 = arith.constant 0 : i32
      %dma_start3A_114 = tpu.memref_slice %arg8[%mul3A_0, %dma_start3A_113] : memref<10240x128xf32, #tpu.memory_space<vmem_shared>> -> memref<640x128xf32, #tpu.memory_space<vmem_shared>>
      %dma_start3A_115 = arith.constant 0 : i32
      %dma_start3A_116 = tpu.memref_slice %arg4[%mul3A_0, %dma_start3A_115] : memref<10240x128xf32, #tpu.memory_space<hbm>> -> memref<640x128xf32, #tpu.memory_space<hbm>>
      tpu.enqueue_dma source(%dma_start3A_116 : memref<640x128xf32, #tpu.memory_space<hbm>>) target(%dma_start3A_114 : memref<640x128xf32, #tpu.memory_space<vmem_shared>>) target_semaphore(%run_scoped3A : memref<!tpu.dma_semaphore, #tpu.memory_space<semaphore_mem>>)
      %dma_wait3A_117 = arith.constant 0 : i32
      %dma_wait3A_118 = tpu.memref_slice %arg8[%mul3A_0, %dma_wait3A_117] : memref<10240x128xf32, #tpu.memory_space<vmem_shared>> -> memref<640x128xf32, #tpu.memory_space<vmem_shared>>
      %dma_wait3A_119 = arith.constant 0 : i32
      %dma_wait3A_120 = tpu.memref_slice %arg4[%mul3A_0, %dma_wait3A_119] : memref<10240x128xf32, #tpu.memory_space<hbm>> -> memref<640x128xf32, #tpu.memory_space<hbm>>
      tpu.wait_dma2 semaphore(%run_scoped3A : memref<!tpu.dma_semaphore, #tpu.memory_space<semaphore_mem>>) src(%dma_wait3A_120 : memref<640x128xf32, #tpu.memory_space<hbm>>) dst(%dma_wait3A_118 : memref<640x128xf32, #tpu.memory_space<vmem_shared>>)
      tpu.yield
    }) : () -> ()
    "tpu.region"() ({
      %run_scoped3A = tpu.sem_alloc : memref<!tpu.dma_semaphore, #tpu.memory_space<semaphore_mem>>
      tpu.enqueue_dma source(%arg3 : memref<128x128xf32, #tpu.memory_space<hbm>>) target(%arg7 : memref<128x128xf32, #tpu.memory_space<vmem>>) target_semaphore(%run_scoped3A : memref<!tpu.dma_semaphore, #tpu.memory_space<semaphore_mem>>)
      tpu.wait_dma2 semaphore(%run_scoped3A : memref<!tpu.dma_semaphore, #tpu.memory_space<semaphore_mem>>) src(%arg3 : memref<128x128xf32, #tpu.memory_space<hbm>>) dst(%arg7 : memref<128x128xf32, #tpu.memory_space<vmem>>)
      tpu.yield
    }) : () -> ()
    %barrier3A = arith.constant 0 : index
    tpu.barrier barrier_id(%barrier3A)
    %mul3A_1 = arith.constant 16 : i32
    %mul3A_2 = arith.muli %arg0, %mul3A_1 : i32
    %add3A = arith.addi %mul3A_2, %arg1 : i32
    %mul3A_3 = arith.constant 80 : i32
    %mul3A_4 = arith.muli %add3A, %mul3A_3 : i32
    "tpu.region"() ({
      %run_scoped3A = tpu.sem_alloc : memref<!tpu.dma_semaphore, #tpu.memory_space<semaphore_mem>>
      %dma_start3A_113 = arith.constant 0 : i32
      %dma_start3A_114 = tpu.memref_slice %arg2[%mul3A_4, %dma_start3A_113] : memref<2560x128xi32, #tpu.memory_space<hbm>> -> memref<80x128xi32, #tpu.memory_space<hbm>>
      %dma_start3A_115 = arith.constant 0 : i32
      %dma_start3A_116 = tpu.memref_slice %arg2[%mul3A_4, %dma_start3A_115] : memref<2560x128xi32, #tpu.memory_space<hbm>> -> memref<80x128xi32, #tpu.memory_space<hbm>>
      tpu.enqueue_dma source(%dma_start3A_116 : memref<80x128xi32, #tpu.memory_space<hbm>>) target(%arg6 : memref<80x128xi32, #tpu.memory_space<vmem>>) target_semaphore(%run_scoped3A : memref<!tpu.dma_semaphore, #tpu.memory_space<semaphore_mem>>)
      %dma_wait3A_117 = arith.constant 0 : i32
      %dma_wait3A_118 = tpu.memref_slice %arg2[%mul3A_4, %dma_wait3A_117] : memref<2560x128xi32, #tpu.memory_space<hbm>> -> memref<80x128xi32, #tpu.memory_space<hbm>>
      %dma_wait3A_119 = arith.constant 0 : i32
      %dma_wait3A_120 = tpu.memref_slice %arg2[%mul3A_4, %dma_wait3A_119] : memref<2560x128xi32, #tpu.memory_space<hbm>> -> memref<80x128xi32, #tpu.memory_space<hbm>>
      tpu.wait_dma2 semaphore(%run_scoped3A : memref<!tpu.dma_semaphore, #tpu.memory_space<semaphore_mem>>) src(%dma_wait3A_120 : memref<80x128xi32, #tpu.memory_space<hbm>>) dst(%arg6 : memref<80x128xi32, #tpu.memory_space<vmem>>)
      tpu.yield
    }) : () -> ()
    %dma_start3A = arith.constant 0 : i32
    %dma_start3A_5 = arith.constant 0 : i32
    %dma_start3A_6 = tpu.memref_slice %arg6[%dma_start3A, %dma_start3A_5] : memref<80x128xi32, #tpu.memory_space<vmem>> -> memref<1x128xi32, #tpu.memory_space<vmem>>
    %dma_start3A_7 = tpu.memref_squeeze %dma_start3A_6 : memref<1x128xi32, #tpu.memory_space<vmem>> -> memref<128xi32, #tpu.memory_space<vmem>>
    %dma_start3A_8 = arith.constant 0 : i32
    %dma_start3A_9 = arith.constant 0 : i32
    %dma_start3A_10 = tpu.memref_slice %arg8[%dma_start3A_8, %dma_start3A_9] : memref<10240x128xf32, #tpu.memory_space<vmem_shared>> -> memref<10240x128xf32, #tpu.memory_space<vmem_shared>>
    tpu.enqueue_indirect_dma source(%arg7 : memref<128x128xf32, #tpu.memory_space<vmem>>) target(%dma_start3A_10 : memref<10240x128xf32, #tpu.memory_space<vmem_shared>>) offsets(%dma_start3A_7 : memref<128xi32, #tpu.memory_space<vmem>>) semaphore(%arg9 : memref<!tpu.dma_semaphore, #tpu.memory_space<semaphore_mem>>) {add = true}
    %dma_start3A_11 = arith.constant 1 : i32
    %dma_start3A_12 = arith.constant 0 : i32
    %dma_start3A_13 = tpu.memref_slice %arg6[%dma_start3A_11, %dma_start3A_12] : memref<80x128xi32, #tpu.memory_space<vmem>> -> memref<1x128xi32, #tpu.memory_space<vmem>>
    %dma_start3A_14 = tpu.memref_squeeze %dma_start3A_13 : memref<1x128xi32, #tpu.memory_space<vmem>> -> memref<128xi32, #tpu.memory_space<vmem>>
    %dma_start3A_15 = arith.constant 0 : i32
    %dma_start3A_16 = arith.constant 0 : i32
    %dma_start3A_17 = tpu.memref_slice %arg8[%dma_start3A_15, %dma_start3A_16] : memref<10240x128xf32, #tpu.memory_space<vmem_shared>> -> memref<10240x128xf32, #tpu.memory_space<vmem_shared>>
    tpu.enqueue_indirect_dma source(%arg7 : memref<128x128xf32, #tpu.memory_space<vmem>>) target(%dma_start3A_17 : memref<10240x128xf32, #tpu.memory_space<vmem_shared>>) offsets(%dma_start3A_14 : memref<128xi32, #tpu.memory_space<vmem>>) semaphore(%arg9 : memref<!tpu.dma_semaphore, #tpu.memory_space<semaphore_mem>>) {add = true}
    %dma_start3A_18 = arith.constant 2 : i32
    %dma_start3A_19 = arith.constant 0 : i32
    %dma_start3A_20 = tpu.memref_slice %arg6[%dma_start3A_18, %dma_start3A_19] : memref<80x128xi32, #tpu.memory_space<vmem>> -> memref<1x128xi32, #tpu.memory_space<vmem>>
    %dma_start3A_21 = tpu.memref_squeeze %dma_start3A_20 : memref<1x128xi32, #tpu.memory_space<vmem>> -> memref<128xi32, #tpu.memory_space<vmem>>
    %dma_start3A_22 = arith.constant 0 : i32
    %dma_start3A_23 = arith.constant 0 : i32
    %dma_start3A_24 = tpu.memref_slice %arg8[%dma_start3A_22, %dma_start3A_23] : memref<10240x128xf32, #tpu.memory_space<vmem_shared>> -> memref<10240x128xf32, #tpu.memory_space<vmem_shared>>
    tpu.enqueue_indirect_dma source(%arg7 : memref<128x128xf32, #tpu.memory_space<vmem>>) target(%dma_start3A_24 : memref<10240x128xf32, #tpu.memory_space<vmem_shared>>) offsets(%dma_start3A_21 : memref<128xi32, #tpu.memory_space<vmem>>) semaphore(%arg9 : memref<!tpu.dma_semaphore, #tpu.memory_space<semaphore_mem>>) {add = true}
    %dma_start3A_25 = arith.constant 3 : i32
    %dma_start3A_26 = arith.constant 0 : i32
    %dma_start3A_27 = tpu.memref_slice %arg6[%dma_start3A_25, %dma_start3A_26] : memref<80x128xi32, #tpu.memory_space<vmem>> -> memref<1x128xi32, #tpu.memory_space<vmem>>
    %dma_start3A_28 = tpu.memref_squeeze %dma_start3A_27 : memref<1x128xi32, #tpu.memory_space<vmem>> -> memref<128xi32, #tpu.memory_space<vmem>>
    %dma_start3A_29 = arith.constant 0 : i32
    %dma_start3A_30 = arith.constant 0 : i32
    %dma_start3A_31 = tpu.memref_slice %arg8[%dma_start3A_29, %dma_start3A_30] : memref<10240x128xf32, #tpu.memory_space<vmem_shared>> -> memref<10240x128xf32, #tpu.memory_space<vmem_shared>>
    tpu.enqueue_indirect_dma source(%arg7 : memref<128x128xf32, #tpu.memory_space<vmem>>) target(%dma_start3A_31 : memref<10240x128xf32, #tpu.memory_space<vmem_shared>>) offsets(%dma_start3A_28 : memref<128xi32, #tpu.memory_space<vmem>>) semaphore(%arg9 : memref<!tpu.dma_semaphore, #tpu.memory_space<semaphore_mem>>) {add = true}
    %dma_start3A_32 = arith.constant 4 : i32
    %dma_start3A_33 = arith.constant 0 : i32
    %dma_start3A_34 = tpu.memref_slice %arg6[%dma_start3A_32, %dma_start3A_33] : memref<80x128xi32, #tpu.memory_space<vmem>> -> memref<1x128xi32, #tpu.memory_space<vmem>>
    %dma_start3A_35 = tpu.memref_squeeze %dma_start3A_34 : memref<1x128xi32, #tpu.memory_space<vmem>> -> memref<128xi32, #tpu.memory_space<vmem>>
    %dma_start3A_36 = arith.constant 0 : i32
    %dma_start3A_37 = arith.constant 0 : i32
    %dma_start3A_38 = tpu.memref_slice %arg8[%dma_start3A_36, %dma_start3A_37] : memref<10240x128xf32, #tpu.memory_space<vmem_shared>> -> memref<10240x128xf32, #tpu.memory_space<vmem_shared>>
    tpu.enqueue_indirect_dma source(%arg7 : memref<128x128xf32, #tpu.memory_space<vmem>>) target(%dma_start3A_38 : memref<10240x128xf32, #tpu.memory_space<vmem_shared>>) offsets(%dma_start3A_35 : memref<128xi32, #tpu.memory_space<vmem>>) semaphore(%arg9 : memref<!tpu.dma_semaphore, #tpu.memory_space<semaphore_mem>>) {add = true}
    %dma_start3A_39 = arith.constant 5 : i32
    %dma_start3A_40 = arith.constant 0 : i32
    %dma_start3A_41 = tpu.memref_slice %arg6[%dma_start3A_39, %dma_start3A_40] : memref<80x128xi32, #tpu.memory_space<vmem>> -> memref<1x128xi32, #tpu.memory_space<vmem>>
    %dma_start3A_42 = tpu.memref_squeeze %dma_start3A_41 : memref<1x128xi32, #tpu.memory_space<vmem>> -> memref<128xi32, #tpu.memory_space<vmem>>
    %dma_start3A_43 = arith.constant 0 : i32
    %dma_start3A_44 = arith.constant 0 : i32
    %dma_start3A_45 = tpu.memref_slice %arg8[%dma_start3A_43, %dma_start3A_44] : memref<10240x128xf32, #tpu.memory_space<vmem_shared>> -> memref<10240x128xf32, #tpu.memory_space<vmem_shared>>
    tpu.enqueue_indirect_dma source(%arg7 : memref<128x128xf32, #tpu.memory_space<vmem>>) target(%dma_start3A_45 : memref<10240x128xf32, #tpu.memory_space<vmem_shared>>) offsets(%dma_start3A_42 : memref<128xi32, #tpu.memory_space<vmem>>) semaphore(%arg9 : memref<!tpu.dma_semaphore, #tpu.memory_space<semaphore_mem>>) {add = true}
    %dma_start3A_46 = arith.constant 6 : i32
    %dma_start3A_47 = arith.constant 0 : i32
    %dma_start3A_48 = tpu.memref_slice %arg6[%dma_start3A_46, %dma_start3A_47] : memref<80x128xi32, #tpu.memory_space<vmem>> -> memref<1x128xi32, #tpu.memory_space<vmem>>
    %dma_start3A_49 = tpu.memref_squeeze %dma_start3A_48 : memref<1x128xi32, #tpu.memory_space<vmem>> -> memref<128xi32, #tpu.memory_space<vmem>>
    %dma_start3A_50 = arith.constant 0 : i32
    %dma_start3A_51 = arith.constant 0 : i32
    %dma_start3A_52 = tpu.memref_slice %arg8[%dma_start3A_50, %dma_start3A_51] : memref<10240x128xf32, #tpu.memory_space<vmem_shared>> -> memref<10240x128xf32, #tpu.memory_space<vmem_shared>>
    tpu.enqueue_indirect_dma source(%arg7 : memref<128x128xf32, #tpu.memory_space<vmem>>) target(%dma_start3A_52 : memref<10240x128xf32, #tpu.memory_space<vmem_shared>>) offsets(%dma_start3A_49 : memref<128xi32, #tpu.memory_space<vmem>>) semaphore(%arg9 : memref<!tpu.dma_semaphore, #tpu.memory_space<semaphore_mem>>) {add = true}
    %dma_start3A_53 = arith.constant 7 : i32
    %dma_start3A_54 = arith.constant 0 : i32
    %dma_start3A_55 = tpu.memref_slice %arg6[%dma_start3A_53, %dma_start3A_54] : memref<80x128xi32, #tpu.memory_space<vmem>> -> memref<1x128xi32, #tpu.memory_space<vmem>>
    %dma_start3A_56 = tpu.memref_squeeze %dma_start3A_55 : memref<1x128xi32, #tpu.memory_space<vmem>> -> memref<128xi32, #tpu.memory_space<vmem>>
    %dma_start3A_57 = arith.constant 0 : i32
    %dma_start3A_58 = arith.constant 0 : i32
    %dma_start3A_59 = tpu.memref_slice %arg8[%dma_start3A_57, %dma_start3A_58] : memref<10240x128xf32, #tpu.memory_space<vmem_shared>> -> memref<10240x128xf32, #tpu.memory_space<vmem_shared>>
    tpu.enqueue_indirect_dma source(%arg7 : memref<128x128xf32, #tpu.memory_space<vmem>>) target(%dma_start3A_59 : memref<10240x128xf32, #tpu.memory_space<vmem_shared>>) offsets(%dma_start3A_56 : memref<128xi32, #tpu.memory_space<vmem>>) semaphore(%arg9 : memref<!tpu.dma_semaphore, #tpu.memory_space<semaphore_mem>>) {add = true}
    %scan3A = arith.constant 0 : i32
    %scan3A_60 = arith.constant 0 : i32
    %scan3A_61 = arith.constant 72 : i32
    %scan3A_62 = arith.addi %scan3A_60, %scan3A_61 : i32
    %scan3A_63 = arith.constant 1 : i32
    scf.for %scan3A_113 = %scan3A_60 to %scan3A_62 step %scan3A_63  : i32 {
      %dma_wait3A_114 = arith.constant 0 : i32
      %dma_wait3A_115 = arith.constant 0 : i32
      %dma_wait3A_116 = tpu.memref_slice %arg4[%dma_wait3A_114, %dma_wait3A_115] : memref<10240x128xf32, #tpu.memory_space<hbm>> -> memref<128x128xf32, #tpu.memory_space<hbm>>
      %dma_wait3A_117 = arith.constant 0 : i32
      %dma_wait3A_118 = arith.constant 0 : i32
      %dma_wait3A_119 = tpu.memref_slice %arg4[%dma_wait3A_117, %dma_wait3A_118] : memref<10240x128xf32, #tpu.memory_space<hbm>> -> memref<128x128xf32, #tpu.memory_space<hbm>>
      tpu.wait_dma2 semaphore(%arg9 : memref<!tpu.dma_semaphore, #tpu.memory_space<semaphore_mem>>) src(%dma_wait3A_119 : memref<128x128xf32, #tpu.memory_space<hbm>>) dst(%arg7 : memref<128x128xf32, #tpu.memory_space<vmem>>)
      %add3A_120 = arith.constant 8 : i32
      %add3A_121 = arith.addi %scan3A_113, %add3A_120 : i32
      %dma_start3A_122 = arith.constant 0 : i32
      %dma_start3A_123 = tpu.memref_slice %arg6[%add3A_121, %dma_start3A_122] : memref<80x128xi32, #tpu.memory_space<vmem>> -> memref<1x128xi32, #tpu.memory_space<vmem>>
      %dma_start3A_124 = tpu.memref_squeeze %dma_start3A_123 : memref<1x128xi32, #tpu.memory_space<vmem>> -> memref<128xi32, #tpu.memory_space<vmem>>
      %dma_start3A_125 = arith.constant 0 : i32
      %dma_start3A_126 = arith.constant 0 : i32
      %dma_start3A_127 = tpu.memref_slice %arg8[%dma_start3A_125, %dma_start3A_126] : memref<10240x128xf32, #tpu.memory_space<vmem_shared>> -> memref<10240x128xf32, #tpu.memory_space<vmem_shared>>
      tpu.enqueue_indirect_dma source(%arg7 : memref<128x128xf32, #tpu.memory_space<vmem>>) target(%dma_start3A_127 : memref<10240x128xf32, #tpu.memory_space<vmem_shared>>) offsets(%dma_start3A_124 : memref<128xi32, #tpu.memory_space<vmem>>) semaphore(%arg9 : memref<!tpu.dma_semaphore, #tpu.memory_space<semaphore_mem>>) {add = true}
    }
    %scan3A_64 = arith.constant 72 : i32
    %dma_wait3A = arith.constant 0 : i32
    %dma_wait3A_65 = arith.constant 0 : i32
    %dma_wait3A_66 = tpu.memref_slice %arg4[%dma_wait3A, %dma_wait3A_65] : memref<10240x128xf32, #tpu.memory_space<hbm>> -> memref<128x128xf32, #tpu.memory_space<hbm>>
    %dma_wait3A_67 = arith.constant 0 : i32
    %dma_wait3A_68 = arith.constant 0 : i32
    %dma_wait3A_69 = tpu.memref_slice %arg4[%dma_wait3A_67, %dma_wait3A_68] : memref<10240x128xf32, #tpu.memory_space<hbm>> -> memref<128x128xf32, #tpu.memory_space<hbm>>
    tpu.wait_dma2 semaphore(%arg9 : memref<!tpu.dma_semaphore, #tpu.memory_space<semaphore_mem>>) src(%dma_wait3A_69 : memref<128x128xf32, #tpu.memory_space<hbm>>) dst(%arg7 : memref<128x128xf32, #tpu.memory_space<vmem>>)
    %dma_wait3A_70 = arith.constant 0 : i32
    %dma_wait3A_71 = arith.constant 0 : i32
    %dma_wait3A_72 = tpu.memref_slice %arg4[%dma_wait3A_70, %dma_wait3A_71] : memref<10240x128xf32, #tpu.memory_space<hbm>> -> memref<128x128xf32, #tpu.memory_space<hbm>>
    %dma_wait3A_73 = arith.constant 0 : i32
    %dma_wait3A_74 = arith.constant 0 : i32
    %dma_wait3A_75 = tpu.memref_slice %arg4[%dma_wait3A_73, %dma_wait3A_74] : memref<10240x128xf32, #tpu.memory_space<hbm>> -> memref<128x128xf32, #tpu.memory_space<hbm>>
    tpu.wait_dma2 semaphore(%arg9 : memref<!tpu.dma_semaphore, #tpu.memory_space<semaphore_mem>>) src(%dma_wait3A_75 : memref<128x128xf32, #tpu.memory_space<hbm>>) dst(%arg7 : memref<128x128xf32, #tpu.memory_space<vmem>>)
    %dma_wait3A_76 = arith.constant 0 : i32
    %dma_wait3A_77 = arith.constant 0 : i32
    %dma_wait3A_78 = tpu.memref_slice %arg4[%dma_wait3A_76, %dma_wait3A_77] : memref<10240x128xf32, #tpu.memory_space<hbm>> -> memref<128x128xf32, #tpu.memory_space<hbm>>
    %dma_wait3A_79 = arith.constant 0 : i32
    %dma_wait3A_80 = arith.constant 0 : i32
    %dma_wait3A_81 = tpu.memref_slice %arg4[%dma_wait3A_79, %dma_wait3A_80] : memref<10240x128xf32, #tpu.memory_space<hbm>> -> memref<128x128xf32, #tpu.memory_space<hbm>>
    tpu.wait_dma2 semaphore(%arg9 : memref<!tpu.dma_semaphore, #tpu.memory_space<semaphore_mem>>) src(%dma_wait3A_81 : memref<128x128xf32, #tpu.memory_space<hbm>>) dst(%arg7 : memref<128x128xf32, #tpu.memory_space<vmem>>)
    %dma_wait3A_82 = arith.constant 0 : i32
    %dma_wait3A_83 = arith.constant 0 : i32
    %dma_wait3A_84 = tpu.memref_slice %arg4[%dma_wait3A_82, %dma_wait3A_83] : memref<10240x128xf32, #tpu.memory_space<hbm>> -> memref<128x128xf32, #tpu.memory_space<hbm>>
    %dma_wait3A_85 = arith.constant 0 : i32
    %dma_wait3A_86 = arith.constant 0 : i32
    %dma_wait3A_87 = tpu.memref_slice %arg4[%dma_wait3A_85, %dma_wait3A_86] : memref<10240x128xf32, #tpu.memory_space<hbm>> -> memref<128x128xf32, #tpu.memory_space<hbm>>
    tpu.wait_dma2 semaphore(%arg9 : memref<!tpu.dma_semaphore, #tpu.memory_space<semaphore_mem>>) src(%dma_wait3A_87 : memref<128x128xf32, #tpu.memory_space<hbm>>) dst(%arg7 : memref<128x128xf32, #tpu.memory_space<vmem>>)
    %dma_wait3A_88 = arith.constant 0 : i32
    %dma_wait3A_89 = arith.constant 0 : i32
    %dma_wait3A_90 = tpu.memref_slice %arg4[%dma_wait3A_88, %dma_wait3A_89] : memref<10240x128xf32, #tpu.memory_space<hbm>> -> memref<128x128xf32, #tpu.memory_space<hbm>>
    %dma_wait3A_91 = arith.constant 0 : i32
    %dma_wait3A_92 = arith.constant 0 : i32
    %dma_wait3A_93 = tpu.memref_slice %arg4[%dma_wait3A_91, %dma_wait3A_92] : memref<10240x128xf32, #tpu.memory_space<hbm>> -> memref<128x128xf32, #tpu.memory_space<hbm>>
    tpu.wait_dma2 semaphore(%arg9 : memref<!tpu.dma_semaphore, #tpu.memory_space<semaphore_mem>>) src(%dma_wait3A_93 : memref<128x128xf32, #tpu.memory_space<hbm>>) dst(%arg7 : memref<128x128xf32, #tpu.memory_space<vmem>>)
    %dma_wait3A_94 = arith.constant 0 : i32
    %dma_wait3A_95 = arith.constant 0 : i32
    %dma_wait3A_96 = tpu.memref_slice %arg4[%dma_wait3A_94, %dma_wait3A_95] : memref<10240x128xf32, #tpu.memory_space<hbm>> -> memref<128x128xf32, #tpu.memory_space<hbm>>
    %dma_wait3A_97 = arith.constant 0 : i32
    %dma_wait3A_98 = arith.constant 0 : i32
    %dma_wait3A_99 = tpu.memref_slice %arg4[%dma_wait3A_97, %dma_wait3A_98] : memref<10240x128xf32, #tpu.memory_space<hbm>> -> memref<128x128xf32, #tpu.memory_space<hbm>>
    tpu.wait_dma2 semaphore(%arg9 : memref<!tpu.dma_semaphore, #tpu.memory_space<semaphore_mem>>) src(%dma_wait3A_99 : memref<128x128xf32, #tpu.memory_space<hbm>>) dst(%arg7 : memref<128x128xf32, #tpu.memory_space<vmem>>)
    %dma_wait3A_100 = arith.constant 0 : i32
    %dma_wait3A_101 = arith.constant 0 : i32
    %dma_wait3A_102 = tpu.memref_slice %arg4[%dma_wait3A_100, %dma_wait3A_101] : memref<10240x128xf32, #tpu.memory_space<hbm>> -> memref<128x128xf32, #tpu.memory_space<hbm>>
    %dma_wait3A_103 = arith.constant 0 : i32
    %dma_wait3A_104 = arith.constant 0 : i32
    %dma_wait3A_105 = tpu.memref_slice %arg4[%dma_wait3A_103, %dma_wait3A_104] : memref<10240x128xf32, #tpu.memory_space<hbm>> -> memref<128x128xf32, #tpu.memory_space<hbm>>
    tpu.wait_dma2 semaphore(%arg9 : memref<!tpu.dma_semaphore, #tpu.memory_space<semaphore_mem>>) src(%dma_wait3A_105 : memref<128x128xf32, #tpu.memory_space<hbm>>) dst(%arg7 : memref<128x128xf32, #tpu.memory_space<vmem>>)
    %dma_wait3A_106 = arith.constant 0 : i32
    %dma_wait3A_107 = arith.constant 0 : i32
    %dma_wait3A_108 = tpu.memref_slice %arg4[%dma_wait3A_106, %dma_wait3A_107] : memref<10240x128xf32, #tpu.memory_space<hbm>> -> memref<128x128xf32, #tpu.memory_space<hbm>>
    %dma_wait3A_109 = arith.constant 0 : i32
    %dma_wait3A_110 = arith.constant 0 : i32
    %dma_wait3A_111 = tpu.memref_slice %arg4[%dma_wait3A_109, %dma_wait3A_110] : memref<10240x128xf32, #tpu.memory_space<hbm>> -> memref<128x128xf32, #tpu.memory_space<hbm>>
    tpu.wait_dma2 semaphore(%arg9 : memref<!tpu.dma_semaphore, #tpu.memory_space<semaphore_mem>>) src(%dma_wait3A_111 : memref<128x128xf32, #tpu.memory_space<hbm>>) dst(%arg7 : memref<128x128xf32, #tpu.memory_space<vmem>>)
    %barrier3A_112 = arith.constant 0 : index
    tpu.barrier barrier_id(%barrier3A_112)
    "tpu.region"() ({
      %run_scoped3A = tpu.sem_alloc : memref<!tpu.dma_semaphore, #tpu.memory_space<semaphore_mem>>
      %dma_start3A_113 = arith.constant 0 : i32
      %dma_start3A_114 = tpu.memref_slice %arg5[%arg0, %mul3A_0, %dma_start3A_113] : memref<2x10240x128xf32, #tpu.memory_space<hbm>> -> memref<1x640x128xf32, #tpu.memory_space<hbm>>
      %dma_start3A_115 = tpu.memref_squeeze %dma_start3A_114 : memref<1x640x128xf32, #tpu.memory_space<hbm>> -> memref<640x128xf32, #tpu.memory_space<hbm>>
      %dma_start3A_116 = arith.constant 0 : i32
      %dma_start3A_117 = tpu.memref_slice %arg8[%mul3A_0, %dma_start3A_116] : memref<10240x128xf32, #tpu.memory_space<vmem_shared>> -> memref<640x128xf32, #tpu.memory_space<vmem_shared>>
      tpu.enqueue_dma source(%dma_start3A_117 : memref<640x128xf32, #tpu.memory_space<vmem_shared>>) target(%dma_start3A_115 : memref<640x128xf32, #tpu.memory_space<hbm>>) target_semaphore(%run_scoped3A : memref<!tpu.dma_semaphore, #tpu.memory_space<semaphore_mem>>)
      %dma_wait3A_118 = arith.constant 0 : i32
      %dma_wait3A_119 = tpu.memref_slice %arg5[%arg0, %mul3A_0, %dma_wait3A_118] : memref<2x10240x128xf32, #tpu.memory_space<hbm>> -> memref<1x640x128xf32, #tpu.memory_space<hbm>>
      %dma_wait3A_120 = tpu.memref_squeeze %dma_wait3A_119 : memref<1x640x128xf32, #tpu.memory_space<hbm>> -> memref<640x128xf32, #tpu.memory_space<hbm>>
      %dma_wait3A_121 = arith.constant 0 : i32
      %dma_wait3A_122 = tpu.memref_slice %arg8[%mul3A_0, %dma_wait3A_121] : memref<10240x128xf32, #tpu.memory_space<vmem_shared>> -> memref<640x128xf32, #tpu.memory_space<vmem_shared>>
      tpu.wait_dma2 semaphore(%run_scoped3A : memref<!tpu.dma_semaphore, #tpu.memory_space<semaphore_mem>>) src(%dma_wait3A_122 : memref<640x128xf32, #tpu.memory_space<vmem_shared>>) dst(%dma_wait3A_120 : memref<640x128xf32, #tpu.memory_space<hbm>>)
      tpu.yield
    }) : () -> ()
    return
  }
}

#map = affine_map<(d0, d1) -> (0, 0)>
#map1 = affine_map<(d0, d1) -> (0)>
#map2 = affine_map<(d0, d1) -> (0, 0, 0)>
module attributes {stable_mosaic.version = 14 : i64} {
  func.func @_sc_aggregate(%arg0: i32, %arg1: i32, %arg2: memref<10240x128xf32, #tpu.memory_space<hbm>>, %arg3: memref<327680xi32, #tpu.memory_space<hbm>>, %arg4: memref<327680xi32, #tpu.memory_space<hbm>>, %arg5: memref<10240x128xf32, #tpu.memory_space<hbm>>, %arg6: memref<2x10240x128xf32, #tpu.memory_space<hbm>>, %arg7: memref<128xi32, #tpu.memory_space<vmem>>, %arg8: memref<128xi32, #tpu.memory_space<vmem>>, %arg9: memref<128x128xf32, #tpu.memory_space<vmem>>, %arg10: memref<10240x128xf32, #tpu.memory_space<vmem_shared>>, %arg11: memref<!tpu.dma_semaphore, #tpu.memory_space<semaphore_mem>>) attributes {dimension_semantics = [#tpu.dimension_semantics<core_parallel>, #tpu.dimension_semantics<subcore_parallel>], iteration_bounds = array<i64: 2, 16>, scalar_prefetch = 0 : i64, scratch_operands = 5 : i64, tpu.core_type = #tpu.core_type<sc_vector_subcore>, window_params = [{transform_indices = #map}, {transform_indices = #map1}, {transform_indices = #map1}, {transform_indices = #map}, {transform_indices = #map2}]} {
    %mul3A = arith.constant 640 : i32
    %mul3A_0 = arith.muli %arg1, %mul3A : i32
    "tpu.region"() ({
      %run_scoped3A = tpu.sem_alloc : memref<!tpu.dma_semaphore, #tpu.memory_space<semaphore_mem>>
      %dma_start3A = arith.constant 0 : i32
      %dma_start3A_9 = tpu.memref_slice %arg10[%mul3A_0, %dma_start3A] : memref<10240x128xf32, #tpu.memory_space<vmem_shared>> -> memref<640x128xf32, #tpu.memory_space<vmem_shared>>
      %dma_start3A_10 = arith.constant 0 : i32
      %dma_start3A_11 = tpu.memref_slice %arg5[%mul3A_0, %dma_start3A_10] : memref<10240x128xf32, #tpu.memory_space<hbm>> -> memref<640x128xf32, #tpu.memory_space<hbm>>
      tpu.enqueue_dma source(%dma_start3A_11 : memref<640x128xf32, #tpu.memory_space<hbm>>) target(%dma_start3A_9 : memref<640x128xf32, #tpu.memory_space<vmem_shared>>) target_semaphore(%run_scoped3A : memref<!tpu.dma_semaphore, #tpu.memory_space<semaphore_mem>>)
      %dma_wait3A = arith.constant 0 : i32
      %dma_wait3A_12 = tpu.memref_slice %arg10[%mul3A_0, %dma_wait3A] : memref<10240x128xf32, #tpu.memory_space<vmem_shared>> -> memref<640x128xf32, #tpu.memory_space<vmem_shared>>
      %dma_wait3A_13 = arith.constant 0 : i32
      %dma_wait3A_14 = tpu.memref_slice %arg5[%mul3A_0, %dma_wait3A_13] : memref<10240x128xf32, #tpu.memory_space<hbm>> -> memref<640x128xf32, #tpu.memory_space<hbm>>
      tpu.wait_dma2 semaphore(%run_scoped3A : memref<!tpu.dma_semaphore, #tpu.memory_space<semaphore_mem>>) src(%dma_wait3A_14 : memref<640x128xf32, #tpu.memory_space<hbm>>) dst(%dma_wait3A_12 : memref<640x128xf32, #tpu.memory_space<vmem_shared>>)
      tpu.yield
    }) : () -> ()
    %barrier3A = arith.constant 0 : index
    tpu.barrier barrier_id(%barrier3A)
    %mul3A_1 = arith.constant 16 : i32
    %mul3A_2 = arith.muli %arg0, %mul3A_1 : i32
    %add3A = arith.addi %mul3A_2, %arg1 : i32
    %scan3A = arith.constant 0 : i32
    %scan3A_3 = arith.constant 0 : i32
    %scan3A_4 = arith.constant 80 : i32
    %scan3A_5 = arith.addi %scan3A_3, %scan3A_4 : i32
    %scan3A_6 = arith.constant 1 : i32
    scf.for %scan3A_9 = %scan3A_3 to %scan3A_5 step %scan3A_6  : i32 {
      %mul3A_10 = arith.constant 80 : i32
      %mul3A_11 = arith.muli %add3A, %mul3A_10 : i32
      %add3A_12 = arith.addi %mul3A_11, %scan3A_9 : i32
      %mul3A_13 = arith.constant 128 : i32
      %mul3A_14 = arith.muli %add3A_12, %mul3A_13 : i32
      "tpu.region"() ({
        %run_scoped3A = tpu.sem_alloc : memref<!tpu.dma_semaphore, #tpu.memory_space<semaphore_mem>>
        %dma_start3A_19 = tpu.memref_slice %arg3[%mul3A_14] : memref<327680xi32, #tpu.memory_space<hbm>> -> memref<128xi32, #tpu.memory_space<hbm>>
        %dma_start3A_20 = tpu.memref_slice %arg3[%mul3A_14] : memref<327680xi32, #tpu.memory_space<hbm>> -> memref<128xi32, #tpu.memory_space<hbm>>
        tpu.enqueue_dma source(%dma_start3A_20 : memref<128xi32, #tpu.memory_space<hbm>>) target(%arg7 : memref<128xi32, #tpu.memory_space<vmem>>) target_semaphore(%run_scoped3A : memref<!tpu.dma_semaphore, #tpu.memory_space<semaphore_mem>>)
        %dma_wait3A_21 = tpu.memref_slice %arg3[%mul3A_14] : memref<327680xi32, #tpu.memory_space<hbm>> -> memref<128xi32, #tpu.memory_space<hbm>>
        %dma_wait3A_22 = tpu.memref_slice %arg3[%mul3A_14] : memref<327680xi32, #tpu.memory_space<hbm>> -> memref<128xi32, #tpu.memory_space<hbm>>
        tpu.wait_dma2 semaphore(%run_scoped3A : memref<!tpu.dma_semaphore, #tpu.memory_space<semaphore_mem>>) src(%dma_wait3A_22 : memref<128xi32, #tpu.memory_space<hbm>>) dst(%arg7 : memref<128xi32, #tpu.memory_space<vmem>>)
        tpu.yield
      }) : () -> ()
      "tpu.region"() ({
        %run_scoped3A = tpu.sem_alloc : memref<!tpu.dma_semaphore, #tpu.memory_space<semaphore_mem>>
        %dma_start3A_19 = tpu.memref_slice %arg4[%mul3A_14] : memref<327680xi32, #tpu.memory_space<hbm>> -> memref<128xi32, #tpu.memory_space<hbm>>
        %dma_start3A_20 = tpu.memref_slice %arg4[%mul3A_14] : memref<327680xi32, #tpu.memory_space<hbm>> -> memref<128xi32, #tpu.memory_space<hbm>>
        tpu.enqueue_dma source(%dma_start3A_20 : memref<128xi32, #tpu.memory_space<hbm>>) target(%arg8 : memref<128xi32, #tpu.memory_space<vmem>>) target_semaphore(%run_scoped3A : memref<!tpu.dma_semaphore, #tpu.memory_space<semaphore_mem>>)
        %dma_wait3A_21 = tpu.memref_slice %arg4[%mul3A_14] : memref<327680xi32, #tpu.memory_space<hbm>> -> memref<128xi32, #tpu.memory_space<hbm>>
        %dma_wait3A_22 = tpu.memref_slice %arg4[%mul3A_14] : memref<327680xi32, #tpu.memory_space<hbm>> -> memref<128xi32, #tpu.memory_space<hbm>>
        tpu.wait_dma2 semaphore(%run_scoped3A : memref<!tpu.dma_semaphore, #tpu.memory_space<semaphore_mem>>) src(%dma_wait3A_22 : memref<128xi32, #tpu.memory_space<hbm>>) dst(%arg8 : memref<128xi32, #tpu.memory_space<vmem>>)
        tpu.yield
      }) : () -> ()
      %dma_start3A = arith.constant 0 : i32
      %dma_start3A_15 = arith.constant 0 : i32
      %dma_start3A_16 = tpu.memref_slice %arg2[%dma_start3A, %dma_start3A_15] : memref<10240x128xf32, #tpu.memory_space<hbm>> -> memref<10240x128xf32, #tpu.memory_space<hbm>>
      tpu.enqueue_indirect_dma source(%dma_start3A_16 : memref<10240x128xf32, #tpu.memory_space<hbm>>) target(%arg9 : memref<128x128xf32, #tpu.memory_space<vmem>>) offsets(%arg7 : memref<128xi32, #tpu.memory_space<vmem>>) semaphore(%arg11 : memref<!tpu.dma_semaphore, #tpu.memory_space<semaphore_mem>>)
      %dma_wait3A = arith.constant 0 : i32
      %dma_wait3A_17 = arith.constant 0 : i32
      %dma_wait3A_18 = tpu.memref_slice %arg2[%dma_wait3A, %dma_wait3A_17] : memref<10240x128xf32, #tpu.memory_space<hbm>> -> memref<10240x128xf32, #tpu.memory_space<hbm>>
      tpu.wait_indirect_dma semaphore(%arg11 : memref<!tpu.dma_semaphore, #tpu.memory_space<semaphore_mem>>) src(%dma_wait3A_18 : memref<10240x128xf32, #tpu.memory_space<hbm>>) dst(%arg9 : memref<128x128xf32, #tpu.memory_space<vmem>>)
      "tpu.region"() ({
        %run_scoped3A = tpu.sem_alloc : memref<!tpu.dma_semaphore, #tpu.memory_space<semaphore_mem>>
        %dma_start3A_19 = arith.constant 0 : i32
        %dma_start3A_20 = arith.constant 0 : i32
        %dma_start3A_21 = tpu.memref_slice %arg10[%dma_start3A_19, %dma_start3A_20] : memref<10240x128xf32, #tpu.memory_space<vmem_shared>> -> memref<10240x128xf32, #tpu.memory_space<vmem_shared>>
        tpu.enqueue_indirect_dma source(%arg9 : memref<128x128xf32, #tpu.memory_space<vmem>>) target(%dma_start3A_21 : memref<10240x128xf32, #tpu.memory_space<vmem_shared>>) offsets(%arg8 : memref<128xi32, #tpu.memory_space<vmem>>) semaphore(%run_scoped3A : memref<!tpu.dma_semaphore, #tpu.memory_space<semaphore_mem>>) {add = true}
        %dma_wait3A_22 = arith.constant 0 : i32
        %dma_wait3A_23 = arith.constant 0 : i32
        %dma_wait3A_24 = tpu.memref_slice %arg10[%dma_wait3A_22, %dma_wait3A_23] : memref<10240x128xf32, #tpu.memory_space<vmem_shared>> -> memref<10240x128xf32, #tpu.memory_space<vmem_shared>>
        tpu.wait_indirect_dma semaphore(%run_scoped3A : memref<!tpu.dma_semaphore, #tpu.memory_space<semaphore_mem>>) src(%arg9 : memref<128x128xf32, #tpu.memory_space<vmem>>) dst(%dma_wait3A_24 : memref<10240x128xf32, #tpu.memory_space<vmem_shared>>)
        tpu.yield
      }) : () -> ()
    }
    %scan3A_7 = arith.constant 80 : i32
    %barrier3A_8 = arith.constant 0 : index
    tpu.barrier barrier_id(%barrier3A_8)
    "tpu.region"() ({
      %run_scoped3A = tpu.sem_alloc : memref<!tpu.dma_semaphore, #tpu.memory_space<semaphore_mem>>
      %dma_start3A = arith.constant 0 : i32
      %dma_start3A_9 = tpu.memref_slice %arg6[%arg0, %mul3A_0, %dma_start3A] : memref<2x10240x128xf32, #tpu.memory_space<hbm>> -> memref<1x640x128xf32, #tpu.memory_space<hbm>>
      %dma_start3A_10 = tpu.memref_squeeze %dma_start3A_9 : memref<1x640x128xf32, #tpu.memory_space<hbm>> -> memref<640x128xf32, #tpu.memory_space<hbm>>
      %dma_start3A_11 = arith.constant 0 : i32
      %dma_start3A_12 = tpu.memref_slice %arg10[%mul3A_0, %dma_start3A_11] : memref<10240x128xf32, #tpu.memory_space<vmem_shared>> -> memref<640x128xf32, #tpu.memory_space<vmem_shared>>
      tpu.enqueue_dma source(%dma_start3A_12 : memref<640x128xf32, #tpu.memory_space<vmem_shared>>) target(%dma_start3A_10 : memref<640x128xf32, #tpu.memory_space<hbm>>) target_semaphore(%run_scoped3A : memref<!tpu.dma_semaphore, #tpu.memory_space<semaphore_mem>>)
      %dma_wait3A = arith.constant 0 : i32
      %dma_wait3A_13 = tpu.memref_slice %arg6[%arg0, %mul3A_0, %dma_wait3A] : memref<2x10240x128xf32, #tpu.memory_space<hbm>> -> memref<1x640x128xf32, #tpu.memory_space<hbm>>
      %dma_wait3A_14 = tpu.memref_squeeze %dma_wait3A_13 : memref<1x640x128xf32, #tpu.memory_space<hbm>> -> memref<640x128xf32, #tpu.memory_space<hbm>>
      %dma_wait3A_15 = arith.constant 0 : i32
      %dma_wait3A_16 = tpu.memref_slice %arg10[%mul3A_0, %dma_wait3A_15] : memref<10240x128xf32, #tpu.memory_space<vmem_shared>> -> memref<640x128xf32, #tpu.memory_space<vmem_shared>>
      tpu.wait_dma2 semaphore(%run_scoped3A : memref<!tpu.dma_semaphore, #tpu.memory_space<semaphore_mem>>) src(%dma_wait3A_16 : memref<640x128xf32, #tpu.memory_space<vmem_shared>>) dst(%dma_wait3A_14 : memref<640x128xf32, #tpu.memory_space<hbm>>)
      tpu.yield
    }) : () -> ()
    return
  }
}

#map = affine_map<(d0, d1) -> (0, 0)>
#map1 = affine_map<(d0, d1) -> (0)>
#map2 = affine_map<(d0, d1) -> (0, 0, 0)>
module attributes {stable_mosaic.version = 14 : i64} {
  func.func @_sc_aggregate(%arg0: i32, %arg1: i32, %arg2: memref<10240x128xf32, #tpu.memory_space<hbm>>, %arg3: memref<327680xi32, #tpu.memory_space<hbm>>, %arg4: memref<327680xi32, #tpu.memory_space<hbm>>, %arg5: memref<10240x128xf32, #tpu.memory_space<hbm>>, %arg6: memref<2x10240x128xf32, #tpu.memory_space<hbm>>, %arg7: memref<128xi32, #tpu.memory_space<vmem>>, %arg8: memref<128xi32, #tpu.memory_space<vmem>>, %arg9: memref<128x128xf32, #tpu.memory_space<vmem>>, %arg10: memref<10240x128xf32, #tpu.memory_space<vmem_shared>>, %arg11: memref<!tpu.dma_semaphore, #tpu.memory_space<semaphore_mem>>) attributes {dimension_semantics = [#tpu.dimension_semantics<core_parallel>, #tpu.dimension_semantics<subcore_parallel>], iteration_bounds = array<i64: 2, 16>, scalar_prefetch = 0 : i64, scratch_operands = 5 : i64, tpu.core_type = #tpu.core_type<sc_vector_subcore>, window_params = [{transform_indices = #map}, {transform_indices = #map1}, {transform_indices = #map1}, {transform_indices = #map}, {transform_indices = #map2}]} {
    %mul3A = arith.constant 640 : i32
    %mul3A_0 = arith.muli %arg1, %mul3A : i32
    "tpu.region"() ({
      %run_scoped3A = tpu.sem_alloc : memref<!tpu.dma_semaphore, #tpu.memory_space<semaphore_mem>>
      %dma_start3A = arith.constant 0 : i32
      %dma_start3A_9 = tpu.memref_slice %arg10[%mul3A_0, %dma_start3A] : memref<10240x128xf32, #tpu.memory_space<vmem_shared>> -> memref<640x128xf32, #tpu.memory_space<vmem_shared>>
      %dma_start3A_10 = arith.constant 0 : i32
      %dma_start3A_11 = tpu.memref_slice %arg5[%mul3A_0, %dma_start3A_10] : memref<10240x128xf32, #tpu.memory_space<hbm>> -> memref<640x128xf32, #tpu.memory_space<hbm>>
      tpu.enqueue_dma source(%dma_start3A_11 : memref<640x128xf32, #tpu.memory_space<hbm>>) target(%dma_start3A_9 : memref<640x128xf32, #tpu.memory_space<vmem_shared>>) target_semaphore(%run_scoped3A : memref<!tpu.dma_semaphore, #tpu.memory_space<semaphore_mem>>)
      %dma_wait3A = arith.constant 0 : i32
      %dma_wait3A_12 = tpu.memref_slice %arg10[%mul3A_0, %dma_wait3A] : memref<10240x128xf32, #tpu.memory_space<vmem_shared>> -> memref<640x128xf32, #tpu.memory_space<vmem_shared>>
      %dma_wait3A_13 = arith.constant 0 : i32
      %dma_wait3A_14 = tpu.memref_slice %arg5[%mul3A_0, %dma_wait3A_13] : memref<10240x128xf32, #tpu.memory_space<hbm>> -> memref<640x128xf32, #tpu.memory_space<hbm>>
      tpu.wait_dma2 semaphore(%run_scoped3A : memref<!tpu.dma_semaphore, #tpu.memory_space<semaphore_mem>>) src(%dma_wait3A_14 : memref<640x128xf32, #tpu.memory_space<hbm>>) dst(%dma_wait3A_12 : memref<640x128xf32, #tpu.memory_space<vmem_shared>>)
      tpu.yield
    }) : () -> ()
    %barrier3A = arith.constant 0 : index
    tpu.barrier barrier_id(%barrier3A)
    %mul3A_1 = arith.constant 16 : i32
    %mul3A_2 = arith.muli %arg0, %mul3A_1 : i32
    %add3A = arith.addi %mul3A_2, %arg1 : i32
    %scan3A = arith.constant 0 : i32
    %scan3A_3 = arith.constant 0 : i32
    %scan3A_4 = arith.constant 80 : i32
    %scan3A_5 = arith.addi %scan3A_3, %scan3A_4 : i32
    %scan3A_6 = arith.constant 1 : i32
    scf.for %scan3A_9 = %scan3A_3 to %scan3A_5 step %scan3A_6  : i32 {
      %mul3A_10 = arith.constant 80 : i32
      %mul3A_11 = arith.muli %add3A, %mul3A_10 : i32
      %add3A_12 = arith.addi %mul3A_11, %scan3A_9 : i32
      %mul3A_13 = arith.constant 128 : i32
      %mul3A_14 = arith.muli %add3A_12, %mul3A_13 : i32
      "tpu.region"() ({
        %run_scoped3A = tpu.sem_alloc : memref<!tpu.dma_semaphore, #tpu.memory_space<semaphore_mem>>
        %dma_start3A_19 = tpu.memref_slice %arg3[%mul3A_14] : memref<327680xi32, #tpu.memory_space<hbm>> -> memref<128xi32, #tpu.memory_space<hbm>>
        %dma_start3A_20 = tpu.memref_slice %arg3[%mul3A_14] : memref<327680xi32, #tpu.memory_space<hbm>> -> memref<128xi32, #tpu.memory_space<hbm>>
        tpu.enqueue_dma source(%dma_start3A_20 : memref<128xi32, #tpu.memory_space<hbm>>) target(%arg7 : memref<128xi32, #tpu.memory_space<vmem>>) target_semaphore(%run_scoped3A : memref<!tpu.dma_semaphore, #tpu.memory_space<semaphore_mem>>)
        %dma_wait3A_21 = tpu.memref_slice %arg3[%mul3A_14] : memref<327680xi32, #tpu.memory_space<hbm>> -> memref<128xi32, #tpu.memory_space<hbm>>
        %dma_wait3A_22 = tpu.memref_slice %arg3[%mul3A_14] : memref<327680xi32, #tpu.memory_space<hbm>> -> memref<128xi32, #tpu.memory_space<hbm>>
        tpu.wait_dma2 semaphore(%run_scoped3A : memref<!tpu.dma_semaphore, #tpu.memory_space<semaphore_mem>>) src(%dma_wait3A_22 : memref<128xi32, #tpu.memory_space<hbm>>) dst(%arg7 : memref<128xi32, #tpu.memory_space<vmem>>)
        tpu.yield
      }) : () -> ()
      "tpu.region"() ({
        %run_scoped3A = tpu.sem_alloc : memref<!tpu.dma_semaphore, #tpu.memory_space<semaphore_mem>>
        %dma_start3A_19 = tpu.memref_slice %arg4[%mul3A_14] : memref<327680xi32, #tpu.memory_space<hbm>> -> memref<128xi32, #tpu.memory_space<hbm>>
        %dma_start3A_20 = tpu.memref_slice %arg4[%mul3A_14] : memref<327680xi32, #tpu.memory_space<hbm>> -> memref<128xi32, #tpu.memory_space<hbm>>
        tpu.enqueue_dma source(%dma_start3A_20 : memref<128xi32, #tpu.memory_space<hbm>>) target(%arg8 : memref<128xi32, #tpu.memory_space<vmem>>) target_semaphore(%run_scoped3A : memref<!tpu.dma_semaphore, #tpu.memory_space<semaphore_mem>>)
        %dma_wait3A_21 = tpu.memref_slice %arg4[%mul3A_14] : memref<327680xi32, #tpu.memory_space<hbm>> -> memref<128xi32, #tpu.memory_space<hbm>>
        %dma_wait3A_22 = tpu.memref_slice %arg4[%mul3A_14] : memref<327680xi32, #tpu.memory_space<hbm>> -> memref<128xi32, #tpu.memory_space<hbm>>
        tpu.wait_dma2 semaphore(%run_scoped3A : memref<!tpu.dma_semaphore, #tpu.memory_space<semaphore_mem>>) src(%dma_wait3A_22 : memref<128xi32, #tpu.memory_space<hbm>>) dst(%arg8 : memref<128xi32, #tpu.memory_space<vmem>>)
        tpu.yield
      }) : () -> ()
      %dma_start3A = arith.constant 0 : i32
      %dma_start3A_15 = arith.constant 0 : i32
      %dma_start3A_16 = tpu.memref_slice %arg2[%dma_start3A, %dma_start3A_15] : memref<10240x128xf32, #tpu.memory_space<hbm>> -> memref<10240x128xf32, #tpu.memory_space<hbm>>
      tpu.enqueue_indirect_dma source(%dma_start3A_16 : memref<10240x128xf32, #tpu.memory_space<hbm>>) target(%arg9 : memref<128x128xf32, #tpu.memory_space<vmem>>) offsets(%arg7 : memref<128xi32, #tpu.memory_space<vmem>>) semaphore(%arg11 : memref<!tpu.dma_semaphore, #tpu.memory_space<semaphore_mem>>)
      %dma_wait3A = arith.constant 0 : i32
      %dma_wait3A_17 = arith.constant 0 : i32
      %dma_wait3A_18 = tpu.memref_slice %arg2[%dma_wait3A, %dma_wait3A_17] : memref<10240x128xf32, #tpu.memory_space<hbm>> -> memref<10240x128xf32, #tpu.memory_space<hbm>>
      tpu.wait_indirect_dma semaphore(%arg11 : memref<!tpu.dma_semaphore, #tpu.memory_space<semaphore_mem>>) src(%dma_wait3A_18 : memref<10240x128xf32, #tpu.memory_space<hbm>>) dst(%arg9 : memref<128x128xf32, #tpu.memory_space<vmem>>)
      "tpu.region"() ({
        %run_scoped3A = tpu.sem_alloc : memref<!tpu.dma_semaphore, #tpu.memory_space<semaphore_mem>>
        %dma_start3A_19 = arith.constant 0 : i32
        %dma_start3A_20 = arith.constant 0 : i32
        %dma_start3A_21 = tpu.memref_slice %arg10[%dma_start3A_19, %dma_start3A_20] : memref<10240x128xf32, #tpu.memory_space<vmem_shared>> -> memref<10240x128xf32, #tpu.memory_space<vmem_shared>>
        tpu.enqueue_indirect_dma source(%arg9 : memref<128x128xf32, #tpu.memory_space<vmem>>) target(%dma_start3A_21 : memref<10240x128xf32, #tpu.memory_space<vmem_shared>>) offsets(%arg8 : memref<128xi32, #tpu.memory_space<vmem>>) semaphore(%run_scoped3A : memref<!tpu.dma_semaphore, #tpu.memory_space<semaphore_mem>>) {add = true}
        %dma_wait3A_22 = arith.constant 0 : i32
        %dma_wait3A_23 = arith.constant 0 : i32
        %dma_wait3A_24 = tpu.memref_slice %arg10[%dma_wait3A_22, %dma_wait3A_23] : memref<10240x128xf32, #tpu.memory_space<vmem_shared>> -> memref<10240x128xf32, #tpu.memory_space<vmem_shared>>
        tpu.wait_indirect_dma semaphore(%run_scoped3A : memref<!tpu.dma_semaphore, #tpu.memory_space<semaphore_mem>>) src(%arg9 : memref<128x128xf32, #tpu.memory_space<vmem>>) dst(%dma_wait3A_24 : memref<10240x128xf32, #tpu.memory_space<vmem_shared>>)
        tpu.yield
      }) : () -> ()
    }
    %scan3A_7 = arith.constant 80 : i32
    %barrier3A_8 = arith.constant 0 : index
    tpu.barrier barrier_id(%barrier3A_8)
    "tpu.region"() ({
      %run_scoped3A = tpu.sem_alloc : memref<!tpu.dma_semaphore, #tpu.memory_space<semaphore_mem>>
      %dma_start3A = arith.constant 0 : i32
      %dma_start3A_9 = tpu.memref_slice %arg6[%arg0, %mul3A_0, %dma_start3A] : memref<2x10240x128xf32, #tpu.memory_space<hbm>> -> memref<1x640x128xf32, #tpu.memory_space<hbm>>
      %dma_start3A_10 = tpu.memref_squeeze %dma_start3A_9 : memref<1x640x128xf32, #tpu.memory_space<hbm>> -> memref<640x128xf32, #tpu.memory_space<hbm>>
      %dma_start3A_11 = arith.constant 0 : i32
      %dma_start3A_12 = tpu.memref_slice %arg10[%mul3A_0, %dma_start3A_11] : memref<10240x128xf32, #tpu.memory_space<vmem_shared>> -> memref<640x128xf32, #tpu.memory_space<vmem_shared>>
      tpu.enqueue_dma source(%dma_start3A_12 : memref<640x128xf32, #tpu.memory_space<vmem_shared>>) target(%dma_start3A_10 : memref<640x128xf32, #tpu.memory_space<hbm>>) target_semaphore(%run_scoped3A : memref<!tpu.dma_semaphore, #tpu.memory_space<semaphore_mem>>)
      %dma_wait3A = arith.constant 0 : i32
      %dma_wait3A_13 = tpu.memref_slice %arg6[%arg0, %mul3A_0, %dma_wait3A] : memref<2x10240x128xf32, #tpu.memory_space<hbm>> -> memref<1x640x128xf32, #tpu.memory_space<hbm>>
      %dma_wait3A_14 = tpu.memref_squeeze %dma_wait3A_13 : memref<1x640x128xf32, #tpu.memory_space<hbm>> -> memref<640x128xf32, #tpu.memory_space<hbm>>
      %dma_wait3A_15 = arith.constant 0 : i32
      %dma_wait3A_16 = tpu.memref_slice %arg10[%mul3A_0, %dma_wait3A_15] : memref<10240x128xf32, #tpu.memory_space<vmem_shared>> -> memref<640x128xf32, #tpu.memory_space<vmem_shared>>
      tpu.wait_dma2 semaphore(%run_scoped3A : memref<!tpu.dma_semaphore, #tpu.memory_space<semaphore_mem>>) src(%dma_wait3A_16 : memref<640x128xf32, #tpu.memory_space<vmem_shared>>) dst(%dma_wait3A_14 : memref<640x128xf32, #tpu.memory_space<hbm>>)
      tpu.yield
    }) : () -> ()
    return
  }
}

module attributes {stable_mosaic.version = 14 : i64} {
  func.func @_tc_pre_body(%arg0: i32, %arg1: memref<512x128xf32, #tpu.memory_space<vmem>>, %arg2: memref<128x128xf32, #tpu.memory_space<vmem>>, %arg3: memref<1x128xf32, #tpu.memory_space<vmem>>, %arg4: memref<2x512x128xf32, #tpu.memory_space<vmem>>, %arg5: memref<512x128xf32, #tpu.memory_space<vmem>>, %arg6: memref<512x128xf32, #tpu.memory_space<vmem>>, %arg7: memref<512x1xf32, #tpu.memory_space<vmem>>) attributes {dimension_semantics = [#tpu.dimension_semantics<arbitrary>], iteration_bounds = array<i64: 20>, scalar_prefetch = 0 : i64, scratch_operands = 0 : i64, tpu.core_type = #tpu.core_type<tc>, window_params = [{transform_indices = @transform_0, window_bounds = array<i64: 512, 128>}, {pipeline_mode = #tpu.pipeline_mode<synchronous>, transform_indices = @transform_1, window_bounds = array<i64: 128, 128>}, {pipeline_mode = #tpu.pipeline_mode<synchronous>, transform_indices = @transform_2, window_bounds = array<i64: 1, 128>}, {transform_indices = @transform_3, window_bounds = array<i64: 2, 512, 128>}, {transform_indices = @transform_4, window_bounds = array<i64: 512, 128>}, {transform_indices = @transform_5, window_bounds = array<i64: 512, 128>}, {transform_indices = @transform_6, window_bounds = array<i64: 512, 1>}]} {
    %get3A = arith.constant 0 : index
    %get3A_0 = arith.constant 0 : index
    %get3A_1 = arith.constant 0 : index
    %get3A_2 = vector.load %arg4[%get3A, %get3A_0, %get3A_1] : memref<2x512x128xf32, #tpu.memory_space<vmem>>, vector<1x512x128xf32>
    %get3A_3 = vector.shape_cast %get3A_2 : vector<1x512x128xf32> to vector<512x128xf32>
    %slice3A = vector.extract_strided_slice %get3A_3 {offsets = [0, 0], sizes = [512, 1], strides = [1, 1]} : vector<512x128xf32> to vector<512x1xf32>
    %get3A_4 = arith.constant 1 : index
    %get3A_5 = arith.constant 0 : index
    %get3A_6 = arith.constant 0 : index
    %get3A_7 = vector.load %arg4[%get3A_4, %get3A_5, %get3A_6] : memref<2x512x128xf32, #tpu.memory_space<vmem>>, vector<1x512x128xf32>
    %get3A_8 = vector.shape_cast %get3A_7 : vector<1x512x128xf32> to vector<512x128xf32>
    %slice3A_9 = vector.extract_strided_slice %get3A_8 {offsets = [0, 0], sizes = [512, 1], strides = [1, 1]} : vector<512x128xf32> to vector<512x1xf32>
    %add3A = arith.addf %slice3A, %slice3A_9 : vector<512x1xf32>
    %max3A = arith.constant 1.000000e+00 : f32
    %max3A_10 = vector.broadcast %max3A : f32 to vector<512x1xf32>
    %max3A_11 = arith.maximumf %add3A, %max3A_10 : vector<512x1xf32>
    %rsqrt3A = math.rsqrt %max3A_11 : vector<512x1xf32>
    %get3A_12 = arith.constant 0 : index
    %get3A_13 = arith.constant 0 : index
    %get3A_14 = vector.load %arg1[%get3A_12, %get3A_13] : memref<512x128xf32, #tpu.memory_space<vmem>>, vector<512x128xf32>
    %get3A_15 = arith.constant 0 : index
    %get3A_16 = arith.constant 0 : index
    %get3A_17 = vector.load %arg2[%get3A_15, %get3A_16] : memref<128x128xf32, #tpu.memory_space<vmem>>, vector<128x128xf32>
    %dot_general3A = arith.constant dense<0.000000e+00> : vector<512x128xf32>
    %dot_general3A_18 = tpu.matmul %get3A_14, %get3A_17, %dot_general3A {dimension_numbers = #tpu.dot_dimension_numbers<[1], [0], [0], [1], [0, 0, 1, 1], [], []>, transpose_lhs_hint = false} : vector<512x128xf32>, vector<128x128xf32>, vector<512x128xf32> -> vector<512x128xf32>
    %get3A_19 = arith.constant 0 : index
    %get3A_20 = arith.constant 0 : index
    %get3A_21 = vector.load %arg3[%get3A_19, %get3A_20] : memref<1x128xf32, #tpu.memory_space<vmem>>, vector<1x128xf32>
    %add3A_22 = vector.broadcast %get3A_21 : vector<1x128xf32> to vector<512x128xf32>
    %add3A_23 = arith.addf %dot_general3A_18, %add3A_22 : vector<512x128xf32>
    %ge3A = arith.constant 0.000000e+00 : f32
    %ge3A_24 = vector.broadcast %ge3A : f32 to vector<512x128xf32>
    %ge3A_25 = arith.cmpf oge, %add3A_23, %ge3A_24 : vector<512x128xf32>
    %mul3A = arith.constant 0.00999999977 : f32
    %mul3A_26 = vector.broadcast %mul3A : f32 to vector<512x128xf32>
    %mul3A_27 = arith.mulf %mul3A_26, %add3A_23 : vector<512x128xf32>
    %select_n3A = arith.select %ge3A_25, %add3A_23, %mul3A_27 : vector<512x128xi1>, vector<512x128xf32>
    %swap3A = arith.constant 0 : index
    %swap3A_28 = arith.constant 0 : index
    %swap3A_29 = vector.load %arg5[%swap3A, %swap3A_28] : memref<512x128xf32, #tpu.memory_space<vmem>>, vector<512x128xf32>
    tpu.vector_store %arg5[%swap3A, %swap3A_28], %select_n3A {strides = array<i32>} : memref<512x128xf32, #tpu.memory_space<vmem>>, vector<512x128xf32>,
    %mul3A_30 = vector.broadcast %rsqrt3A : vector<512x1xf32> to vector<512x128xf32>
    %mul3A_31 = arith.mulf %select_n3A, %mul3A_30 : vector<512x128xf32>
    %swap3A_32 = arith.constant 0 : index
    %swap3A_33 = arith.constant 0 : index
    %swap3A_34 = vector.load %arg6[%swap3A_32, %swap3A_33] : memref<512x128xf32, #tpu.memory_space<vmem>>, vector<512x128xf32>
    tpu.vector_store %arg6[%swap3A_32, %swap3A_33], %mul3A_31 {strides = array<i32>} : memref<512x128xf32, #tpu.memory_space<vmem>>, vector<512x128xf32>,
    %swap3A_35 = arith.constant 0 : index
    %swap3A_36 = arith.constant 0 : index
    %swap3A_37 = vector.load %arg7[%swap3A_35, %swap3A_36] : memref<512x1xf32, #tpu.memory_space<vmem>>, vector<512x1xf32>
    tpu.vector_store %arg7[%swap3A_35, %swap3A_36], %rsqrt3A {strides = array<i32>} : memref<512x1xf32, #tpu.memory_space<vmem>>, vector<512x1xf32>,
    return
  }
  func.func @transform_0(%arg0: i32) -> (i32, i32) {
    %c0_i32 = arith.constant 0 : i32
    %c0_i32_0 = arith.constant 0 : i32
    return %arg0, %c0_i32 : i32, i32
  }
  func.func @transform_1(%arg0: i32) -> (i32, i32) {
    %c0_i32 = arith.constant 0 : i32
    %c0_i32_0 = arith.constant 0 : i32
    %c0_i32_1 = arith.constant 0 : i32
    return %c0_i32, %c0_i32_0 : i32, i32
  }
  func.func @transform_2(%arg0: i32) -> (i32, i32) {
    %c0_i32 = arith.constant 0 : i32
    %c0_i32_0 = arith.constant 0 : i32
    %c0_i32_1 = arith.constant 0 : i32
    return %c0_i32, %c0_i32_0 : i32, i32
  }
  func.func @transform_3(%arg0: i32) -> (i32, i32, i32) {
    %c0_i32 = arith.constant 0 : i32
    %c0_i32_0 = arith.constant 0 : i32
    %c0_i32_1 = arith.constant 0 : i32
    return %c0_i32, %arg0, %c0_i32_0 : i32, i32, i32
  }
  func.func @transform_4(%arg0: i32) -> (i32, i32) {
    %c0_i32 = arith.constant 0 : i32
    %c0_i32_0 = arith.constant 0 : i32
    return %arg0, %c0_i32 : i32, i32
  }
  func.func @transform_5(%arg0: i32) -> (i32, i32) {
    %c0_i32 = arith.constant 0 : i32
    %c0_i32_0 = arith.constant 0 : i32
    return %arg0, %c0_i32 : i32, i32
  }
  func.func @transform_6(%arg0: i32) -> (i32, i32) {
    %c0_i32 = arith.constant 0 : i32
    %c0_i32_0 = arith.constant 0 : i32
    return %arg0, %c0_i32 : i32, i32
  }
}

module attributes {stable_mosaic.version = 14 : i64} {
  func.func @_tc_step_body(%arg0: i32, %arg1: memref<512x128xf32, #tpu.memory_space<vmem>>, %arg2: memref<2x512x128xf32, #tpu.memory_space<vmem>>, %arg3: memref<512x1xf32, #tpu.memory_space<vmem>>, %arg4: memref<512x128xf32, #tpu.memory_space<vmem>>, %arg5: memref<512x128xf32, #tpu.memory_space<vmem>>) attributes {dimension_semantics = [#tpu.dimension_semantics<arbitrary>], iteration_bounds = array<i64: 20>, scalar_prefetch = 0 : i64, scratch_operands = 0 : i64, tpu.core_type = #tpu.core_type<tc>, window_params = [{transform_indices = @transform_0, window_bounds = array<i64: 512, 128>}, {transform_indices = @transform_1, window_bounds = array<i64: 2, 512, 128>}, {transform_indices = @transform_2, window_bounds = array<i64: 512, 1>}, {transform_indices = @transform_3, window_bounds = array<i64: 512, 128>}, {transform_indices = @transform_4, window_bounds = array<i64: 512, 128>}]} {
    %get3A = arith.constant 0 : index
    %get3A_0 = arith.constant 0 : index
    %get3A_1 = vector.load %arg3[%get3A, %get3A_0] : memref<512x1xf32, #tpu.memory_space<vmem>>, vector<512x1xf32>
    %get3A_2 = arith.constant 0 : index
    %get3A_3 = arith.constant 0 : index
    %get3A_4 = arith.constant 0 : index
    %get3A_5 = vector.load %arg2[%get3A_2, %get3A_3, %get3A_4] : memref<2x512x128xf32, #tpu.memory_space<vmem>>, vector<1x512x128xf32>
    %get3A_6 = vector.shape_cast %get3A_5 : vector<1x512x128xf32> to vector<512x128xf32>
    %get3A_7 = arith.constant 1 : index
    %get3A_8 = arith.constant 0 : index
    %get3A_9 = arith.constant 0 : index
    %get3A_10 = vector.load %arg2[%get3A_7, %get3A_8, %get3A_9] : memref<2x512x128xf32, #tpu.memory_space<vmem>>, vector<1x512x128xf32>
    %get3A_11 = vector.shape_cast %get3A_10 : vector<1x512x128xf32> to vector<512x128xf32>
    %add3A = arith.addf %get3A_6, %get3A_11 : vector<512x128xf32>
    %get3A_12 = arith.constant 0 : index
    %get3A_13 = arith.constant 0 : index
    %get3A_14 = vector.load %arg1[%get3A_12, %get3A_13] : memref<512x128xf32, #tpu.memory_space<vmem>>, vector<512x128xf32>
    %mul3A = vector.broadcast %get3A_1 : vector<512x1xf32> to vector<512x128xf32>
    %mul3A_15 = arith.mulf %add3A, %mul3A : vector<512x128xf32>
    %sub3A = arith.subf %get3A_14, %mul3A_15 : vector<512x128xf32>
    %swap3A = arith.constant 0 : index
    %swap3A_16 = arith.constant 0 : index
    %swap3A_17 = vector.load %arg4[%swap3A, %swap3A_16] : memref<512x128xf32, #tpu.memory_space<vmem>>, vector<512x128xf32>
    tpu.vector_store %arg4[%swap3A, %swap3A_16], %sub3A {strides = array<i32>} : memref<512x128xf32, #tpu.memory_space<vmem>>, vector<512x128xf32>,
    %mul3A_18 = vector.broadcast %get3A_1 : vector<512x1xf32> to vector<512x128xf32>
    %mul3A_19 = arith.mulf %sub3A, %mul3A_18 : vector<512x128xf32>
    %swap3A_20 = arith.constant 0 : index
    %swap3A_21 = arith.constant 0 : index
    %swap3A_22 = vector.load %arg5[%swap3A_20, %swap3A_21] : memref<512x128xf32, #tpu.memory_space<vmem>>, vector<512x128xf32>
    tpu.vector_store %arg5[%swap3A_20, %swap3A_21], %mul3A_19 {strides = array<i32>} : memref<512x128xf32, #tpu.memory_space<vmem>>, vector<512x128xf32>,
    return
  }
  func.func @transform_0(%arg0: i32) -> (i32, i32) {
    %c0_i32 = arith.constant 0 : i32
    %c0_i32_0 = arith.constant 0 : i32
    return %arg0, %c0_i32 : i32, i32
  }
  func.func @transform_1(%arg0: i32) -> (i32, i32, i32) {
    %c0_i32 = arith.constant 0 : i32
    %c0_i32_0 = arith.constant 0 : i32
    %c0_i32_1 = arith.constant 0 : i32
    return %c0_i32, %arg0, %c0_i32_0 : i32, i32, i32
  }
  func.func @transform_2(%arg0: i32) -> (i32, i32) {
    %c0_i32 = arith.constant 0 : i32
    %c0_i32_0 = arith.constant 0 : i32
    return %arg0, %c0_i32 : i32, i32
  }
  func.func @transform_3(%arg0: i32) -> (i32, i32) {
    %c0_i32 = arith.constant 0 : i32
    %c0_i32_0 = arith.constant 0 : i32
    return %arg0, %c0_i32 : i32, i32
  }
  func.func @transform_4(%arg0: i32) -> (i32, i32) {
    %c0_i32 = arith.constant 0 : i32
    %c0_i32_0 = arith.constant 0 : i32
    return %arg0, %c0_i32 : i32, i32
  }
}

module attributes {stable_mosaic.version = 14 : i64} {
  func.func @_tc_last_body(%arg0: i32, %arg1: memref<400x128xf32, #tpu.memory_space<vmem>>, %arg2: memref<400x128xf32, #tpu.memory_space<vmem>>, %arg3: memref<400x128xf32, #tpu.memory_space<vmem>>, %arg4: memref<2x400x128xf32, #tpu.memory_space<vmem>>, %arg5: memref<400x1xf32, #tpu.memory_space<vmem>>, %arg6: memref<400x512xf32, #tpu.memory_space<vmem>>) attributes {dimension_semantics = [#tpu.dimension_semantics<arbitrary>], iteration_bounds = array<i64: 25>, scalar_prefetch = 0 : i64, scratch_operands = 0 : i64, tpu.core_type = #tpu.core_type<tc>, window_params = [{transform_indices = @transform_0, window_bounds = array<i64: 400, 128>}, {transform_indices = @transform_1, window_bounds = array<i64: 400, 128>}, {transform_indices = @transform_2, window_bounds = array<i64: 400, 128>}, {transform_indices = @transform_3, window_bounds = array<i64: 2, 400, 128>}, {transform_indices = @transform_4, window_bounds = array<i64: 400, 1>}, {transform_indices = @transform_5, window_bounds = array<i64: 400, 512>}]} {
    %get3A = arith.constant 0 : index
    %get3A_0 = arith.constant 0 : index
    %get3A_1 = vector.load %arg5[%get3A, %get3A_0] : memref<400x1xf32, #tpu.memory_space<vmem>>, vector<400x1xf32>
    %get3A_2 = arith.constant 0 : index
    %get3A_3 = arith.constant 0 : index
    %get3A_4 = vector.load %arg3[%get3A_2, %get3A_3] : memref<400x128xf32, #tpu.memory_space<vmem>>, vector<400x128xf32>
    %get3A_5 = arith.constant 0 : index
    %get3A_6 = arith.constant 0 : index
    %get3A_7 = arith.constant 0 : index
    %get3A_8 = vector.load %arg4[%get3A_5, %get3A_6, %get3A_7] : memref<2x400x128xf32, #tpu.memory_space<vmem>>, vector<1x400x128xf32>
    %get3A_9 = vector.shape_cast %get3A_8 : vector<1x400x128xf32> to vector<400x128xf32>
    %get3A_10 = arith.constant 1 : index
    %get3A_11 = arith.constant 0 : index
    %get3A_12 = arith.constant 0 : index
    %get3A_13 = vector.load %arg4[%get3A_10, %get3A_11, %get3A_12] : memref<2x400x128xf32, #tpu.memory_space<vmem>>, vector<1x400x128xf32>
    %get3A_14 = vector.shape_cast %get3A_13 : vector<1x400x128xf32> to vector<400x128xf32>
    %add3A = arith.addf %get3A_9, %get3A_14 : vector<400x128xf32>
    %mul3A = vector.broadcast %get3A_1 : vector<400x1xf32> to vector<400x128xf32>
    %mul3A_15 = arith.mulf %add3A, %mul3A : vector<400x128xf32>
    %sub3A = arith.subf %get3A_4, %mul3A_15 : vector<400x128xf32>
    %get3A_16 = arith.constant 0 : index
    %get3A_17 = arith.constant 0 : index
    %get3A_18 = vector.load %arg1[%get3A_16, %get3A_17] : memref<400x128xf32, #tpu.memory_space<vmem>>, vector<400x128xf32>
    %get3A_19 = arith.constant 0 : index
    %get3A_20 = arith.constant 0 : index
    %get3A_21 = vector.load %arg2[%get3A_19, %get3A_20] : memref<400x128xf32, #tpu.memory_space<vmem>>, vector<400x128xf32>
    %get3A_22 = arith.constant 0 : index
    %get3A_23 = arith.constant 0 : index
    %get3A_24 = vector.load %arg3[%get3A_22, %get3A_23] : memref<400x128xf32, #tpu.memory_space<vmem>>, vector<400x128xf32>
    %mul3A_25 = arith.constant 2.500000e+00 : f32
    %mul3A_26 = vector.broadcast %mul3A_25 : f32 to vector<400x128xf32>
    %mul3A_27 = arith.mulf %mul3A_26, %get3A_18 : vector<400x128xf32>
    %mul3A_28 = arith.constant -5.000000e+00 : f32
    %mul3A_29 = vector.broadcast %mul3A_28 : f32 to vector<400x128xf32>
    %mul3A_30 = arith.mulf %mul3A_29, %get3A_21 : vector<400x128xf32>
    %add3A_31 = arith.addf %mul3A_27, %mul3A_30 : vector<400x128xf32>
    %mul3A_32 = arith.constant 3.750000e+00 : f32
    %mul3A_33 = vector.broadcast %mul3A_32 : f32 to vector<400x128xf32>
    %mul3A_34 = arith.mulf %mul3A_33, %get3A_24 : vector<400x128xf32>
    %add3A_35 = arith.addf %add3A_31, %mul3A_34 : vector<400x128xf32>
    %mul3A_36 = arith.constant -1.250000e+00 : f32
    %mul3A_37 = vector.broadcast %mul3A_36 : f32 to vector<400x128xf32>
    %mul3A_38 = arith.mulf %mul3A_37, %sub3A : vector<400x128xf32>
    %add3A_39 = arith.addf %add3A_35, %mul3A_38 : vector<400x128xf32>
    %swap3A = arith.constant 0 : index
    %swap3A_40 = arith.constant 0 : index
    %swap3A_41 = vector.load %arg6[%swap3A, %swap3A_40] : memref<400x512xf32, #tpu.memory_space<vmem>>, vector<400x128xf32>
    tpu.vector_store %arg6[%swap3A, %swap3A_40], %add3A_39 {strides = array<i32>} : memref<400x512xf32, #tpu.memory_space<vmem>>, vector<400x128xf32>,
    %mul3A_42 = arith.constant 0.000000e+00 : f32
    %mul3A_43 = vector.broadcast %mul3A_42 : f32 to vector<400x128xf32>
    %mul3A_44 = arith.mulf %mul3A_43, %get3A_18 : vector<400x128xf32>
    %mul3A_45 = arith.constant 5.000000e+00 : f32
    %mul3A_46 = vector.broadcast %mul3A_45 : f32 to vector<400x128xf32>
    %mul3A_47 = arith.mulf %mul3A_46, %get3A_21 : vector<400x128xf32>
    %add3A_48 = arith.addf %mul3A_44, %mul3A_47 : vector<400x128xf32>
    %mul3A_49 = arith.constant -7.500000e+00 : f32
    %mul3A_50 = vector.broadcast %mul3A_49 : f32 to vector<400x128xf32>
    %mul3A_51 = arith.mulf %mul3A_50, %get3A_24 : vector<400x128xf32>
    %add3A_52 = arith.addf %add3A_48, %mul3A_51 : vector<400x128xf32>
    %mul3A_53 = arith.constant 3.750000e+00 : f32
    %mul3A_54 = vector.broadcast %mul3A_53 : f32 to vector<400x128xf32>
    %mul3A_55 = arith.mulf %mul3A_54, %sub3A : vector<400x128xf32>
    %add3A_56 = arith.addf %add3A_52, %mul3A_55 : vector<400x128xf32>
    %swap3A_57 = arith.constant 0 : index
    %swap3A_58 = arith.constant 128 : index
    %swap3A_59 = vector.load %arg6[%swap3A_57, %swap3A_58] : memref<400x512xf32, #tpu.memory_space<vmem>>, vector<400x128xf32>
    tpu.vector_store %arg6[%swap3A_57, %swap3A_58], %add3A_56 {strides = array<i32>} : memref<400x512xf32, #tpu.memory_space<vmem>>, vector<400x128xf32>,
    %mul3A_60 = arith.constant 0.000000e+00 : f32
    %mul3A_61 = vector.broadcast %mul3A_60 : f32 to vector<400x128xf32>
    %mul3A_62 = arith.mulf %mul3A_61, %get3A_18 : vector<400x128xf32>
    %mul3A_63 = arith.constant 0.000000e+00 : f32
    %mul3A_64 = vector.broadcast %mul3A_63 : f32 to vector<400x128xf32>
    %mul3A_65 = arith.mulf %mul3A_64, %get3A_21 : vector<400x128xf32>
    %add3A_66 = arith.addf %mul3A_62, %mul3A_65 : vector<400x128xf32>
    %mul3A_67 = arith.constant 3.750000e+00 : f32
    %mul3A_68 = vector.broadcast %mul3A_67 : f32 to vector<400x128xf32>
    %mul3A_69 = arith.mulf %mul3A_68, %get3A_24 : vector<400x128xf32>
    %add3A_70 = arith.addf %add3A_66, %mul3A_69 : vector<400x128xf32>
    %mul3A_71 = arith.constant -3.750000e+00 : f32
    %mul3A_72 = vector.broadcast %mul3A_71 : f32 to vector<400x128xf32>
    %mul3A_73 = arith.mulf %mul3A_72, %sub3A : vector<400x128xf32>
    %add3A_74 = arith.addf %add3A_70, %mul3A_73 : vector<400x128xf32>
    %swap3A_75 = arith.constant 0 : index
    %swap3A_76 = arith.constant 256 : index
    %swap3A_77 = vector.load %arg6[%swap3A_75, %swap3A_76] : memref<400x512xf32, #tpu.memory_space<vmem>>, vector<400x128xf32>
    tpu.vector_store %arg6[%swap3A_75, %swap3A_76], %add3A_74 {strides = array<i32>} : memref<400x512xf32, #tpu.memory_space<vmem>>, vector<400x128xf32>,
    %mul3A_78 = arith.constant 0.000000e+00 : f32
    %mul3A_79 = vector.broadcast %mul3A_78 : f32 to vector<400x128xf32>
    %mul3A_80 = arith.mulf %mul3A_79, %get3A_18 : vector<400x128xf32>
    %mul3A_81 = arith.constant 0.000000e+00 : f32
    %mul3A_82 = vector.broadcast %mul3A_81 : f32 to vector<400x128xf32>
    %mul3A_83 = arith.mulf %mul3A_82, %get3A_21 : vector<400x128xf32>
    %add3A_84 = arith.addf %mul3A_80, %mul3A_83 : vector<400x128xf32>
    %mul3A_85 = arith.constant 0.000000e+00 : f32
    %mul3A_86 = vector.broadcast %mul3A_85 : f32 to vector<400x128xf32>
    %mul3A_87 = arith.mulf %mul3A_86, %get3A_24 : vector<400x128xf32>
    %add3A_88 = arith.addf %add3A_84, %mul3A_87 : vector<400x128xf32>
    %mul3A_89 = arith.constant 1.250000e+00 : f32
    %mul3A_90 = vector.broadcast %mul3A_89 : f32 to vector<400x128xf32>
    %mul3A_91 = arith.mulf %mul3A_90, %sub3A : vector<400x128xf32>
    %add3A_92 = arith.addf %add3A_88, %mul3A_91 : vector<400x128xf32>
    %swap3A_93 = arith.constant 0 : index
    %swap3A_94 = arith.constant 384 : index
    %swap3A_95 = vector.load %arg6[%swap3A_93, %swap3A_94] : memref<400x512xf32, #tpu.memory_space<vmem>>, vector<400x128xf32>
    tpu.vector_store %arg6[%swap3A_93, %swap3A_94], %add3A_92 {strides = array<i32>} : memref<400x512xf32, #tpu.memory_space<vmem>>, vector<400x128xf32>,
    return
  }
  func.func @transform_0(%arg0: i32) -> (i32, i32) {
    %c0_i32 = arith.constant 0 : i32
    %c0_i32_0 = arith.constant 0 : i32
    return %arg0, %c0_i32 : i32, i32
  }
  func.func @transform_1(%arg0: i32) -> (i32, i32) {
    %c0_i32 = arith.constant 0 : i32
    %c0_i32_0 = arith.constant 0 : i32
    return %arg0, %c0_i32 : i32, i32
  }
  func.func @transform_2(%arg0: i32) -> (i32, i32) {
    %c0_i32 = arith.constant 0 : i32
    %c0_i32_0 = arith.constant 0 : i32
    return %arg0, %c0_i32 : i32, i32
  }
  func.func @transform_3(%arg0: i32) -> (i32, i32, i32) {
    %c0_i32 = arith.constant 0 : i32
    %c0_i32_0 = arith.constant 0 : i32
    %c0_i32_1 = arith.constant 0 : i32
    return %c0_i32, %arg0, %c0_i32_0 : i32, i32, i32
  }
  func.func @transform_4(%arg0: i32) -> (i32, i32) {
    %c0_i32 = arith.constant 0 : i32
    %c0_i32_0 = arith.constant 0 : i32
    return %arg0, %c0_i32 : i32, i32
  }
  func.func @transform_5(%arg0: i32) -> (i32, i32) {
    %c0_i32 = arith.constant 0 : i32
    %c0_i32_0 = arith.constant 0 : i32
    return %arg0, %c0_i32 : i32, i32
  }
}

</mosaic_0001>

<sc_bundles>
// kernel: kernel.10.cloned.1.call-start
scs
__scs_entry_jumppad:
0x0: {  	(pc) =	sbr.rel $0x88, $3  }
0x1: {  	(tag) =	ssettag $0x0;
	lr =	simm.s32 $0x1  }
0x2: {  	[smem:$0x3F9D] =	sst lr;
	_ =	strace $0xD0000000  }
0x3: {  	_ = 	snop  }
0x4: {  	_ = 	snop  }
0x5: {  	_ = 	snop  }
0x6: {  	_ = 	snop  }
0x7: {  	_ = 	snop  }
__scs_overlays_trampoline_lowered:
0x8: {  	[smem:$0x3FAC] =	sst s0  }
0x9: {  	[smem:$0x3FAD] =	sst s1  }
0xa: {  	[smem:$0x3FAE] =	sst s2  }
0xb: {  	[smem:$0x3FAF] =	sst s3  }
0xc: {  	[smem:$0x3FB0] =	sst s4  }
0xd: {  	[smem:$0x3FB1] =	sst s5  }
0xe: {  	[smem:$0x3FB2] =	sst s6  }
0xf: {  	[smem:$0x3FB3] =	sst s7  }
0x10: {  	[smem:$0x3FB4] =	sst s8  }
0x11: {  	[smem:$0x3FB5] =	sst s9;
	s0 =	simm.s32 @!p0 $0x0  }
0x12: {  	s1 =	sld [smem:$0x3F9B];
	s0 =	simm.s32 @p0 $0x1  }
0x13: {  	[smem:$0x3FB6] =	sst s0;
	s0 =	simm.s32 @!p1 $0x0  }
0x14: {  	s2 =	sld [smem:$0x3F9A];
	s0 =	simm.s32 @p1 $0x1  }
0x15: {  	[smem:$0x3FB7] =	sst s0;
	s0 =	simm.s32 @!p2 $0x0  }
0x16: {  	s3 =	sld [smem:$0x3FDB];
	s0 =	simm.s32 @p2 $0x1  }
0x17: {  	s4 =	simm.s32 $0x1BF5;
	[smem:$0x3FB9] =	sst s0  }
0x18: {  	s0 =	sld [smem:$0x3F9C];
	_ =	swait.ge [sflag:s4], $0x0  }
0x19: {  	s7 =	sld [smem:$0x3F9D]  }
0x1a: {  	s8 =	sadd.s32 $0xFFFFE003, lr  }
0x1b: {  	s9 =	sadd.s32 $0xFFFFFEF7, lr;
	s5 =	simm.s32 $0xFFFFFFFF;
	p2 =	slt.u32 s8, $0xFFFFF086  }
0x1c: {  	p1 =	slt.u32 s9, $0xF7A;
	s5 =	simm.s32 @!p2 $0x0  }
0x1d: {  	s5 =	simm.s32 @p1 $0x1;
	p0 =	seq.s32 s7, s2  }
0x1e: {  	s7 =	smul.u32 @!p0 $0xF7A, s2;
	p2 =	seq.s32 @!p0 s5, $0x0  }
0x1f: {  	s9 =	smul.u32 $0xF7A, s1;
	s8 =	simm.s32 @!p0 $0x1BF5;
	p2 =	por !p2, p0  }
0x20: {  	[sflag:s8] =	ssyncset.s32 @!p0 $0xFFFFF086;
	s6 =	sadd.s32 @!p0 s3, s7;
	s7 =	simm.s32 @!p0 $0x108  }
0x21: {  	s3 =	sadd.s32 s3, s9;
	s6 =	sadd.s32 @!p0 $0x88, s6;
	s7 =	simm.s32 @p2 $0x1082  }
0x22: {  	[simem:s7], [sflag:s8] =	dma.local @!p0 [hbm:s6], $0xF7A  }
0x23: {  	s9 =	sor.u32 $0xD0000000, s2;
	s6 =	simm.s32 $0x108;
	_ =	swait.ge @!p0 [sflag:s8], $0x0  }
0x24: {  	s3 =	sadd.s32 $0x88, s3;
	s6 =	simm.s32 @!p1 $0x1082;
	[sflag:s4] =	ssyncset.s32 $0xFFFFF086  }
0x25: {  	[simem:s6], [sflag:s4] =	dma.local [hbm:s3], $0xF7A  }
0x26: {  	[smem:$0x3F9D] =	sst s1;
	(tag) =	ssettag s2;
	_ =	strace s9  }
0x27: {  	s1 =	sld [smem:$0x3FAD]  }
0x28: {  	s2 =	sld [smem:$0x3FAE]  }
0x29: {  	s4 =	sld [smem:$0x3FB0]  }
0x2a: {  	p0 =	seq.s32 s5, $0x0;
	s5 =	sld [smem:$0x3FB1]  }
0x2b: {  	s6 =	sld [smem:$0x3FB2]  }
0x2c: {  	s7 =	sld [smem:$0x3FB3]  }
0x2d: {  	s3 =	simm.s32 $0x108;
	s8 =	sld [smem:$0x3FB4]  }
0x2e: {  	s3 =	simm.s32 @!p0 $0x1082;
	s9 =	sld [smem:$0x3FB5]  }
0x2f: {  	lr =	sadd.s32 s0, s3;
	s0 =	sld [smem:$0x3FAC]  }
0x30: {  	s3 =	sld [smem:$0x3FAF]  }
0x31: {  	[smem:$0x3FB8] =	sst s10  }
0x32: {  	s10 =	sld [smem:$0x3FB6];
	_ =	sdelay $0x3  }
0x33: {  	p0 =	seq.s32 s10, $0x1;
	s10 =	sld [smem:$0x3FB8];
	_ =	sdelay $0x3  }
0x34: {  	[smem:$0x3FB8] =	sst s10  }
0x35: {  	s10 =	sld [smem:$0x3FB7];
	_ =	sdelay $0x3  }
0x36: {  	p1 =	seq.s32 s10, $0x1;
	s10 =	sld [smem:$0x3FB8];
	_ =	sdelay $0x3  }
0x37: {  	[smem:$0x3FB8] =	sst s10  }
0x38: {  	s10 =	sld [smem:$0x3FB9]  }
0x39: {  	_ = 	snop;
	(pc) =	sbr.ind lr, $3  }
0x3a: {  	_ = 	snop  }
0x3b: {  	_ = 	snop  }
0x3c: {  	p2 =	seq.s32 s10, $0x1;
	s10 =	sld [smem:$0x3FB8]  }
0x3d: {  	_ =	shalt  }
0x3e: {  	_ =	shalt  }
0x3f: {  	_ =	shalt  }
0x40: {  	_ =	shalt  }
0x41: {  	_ =	shalt  }
0x42: {  	_ =	shalt  }
0x43: {  	_ =	shalt  }
0x44: {  	_ =	shalt  }
0x45: {  	_ =	shalt  }
0x46: {  	_ =	shalt  }
0x47: {  	_ =	shalt  }
0x48: {  	_ =	shalt  }
0x49: {  	_ =	shalt  }
0x4a: {  	_ =	shalt  }
0x4b: {  	_ =	shalt  }
0x4c: {  	_ =	shalt  }
0x4d: {  	_ =	shalt  }
0x4e: {  	_ =	shalt  }
0x4f: {  	_ =	shalt  }
0x50: {  	_ =	shalt  }
0x51: {  	_ =	shalt  }
0x52: {  	_ =	shalt  }
0x53: {  	_ =	shalt  }
0x54: {  	_ =	shalt  }
0x55: {  	_ =	shalt  }
0x56: {  	_ =	shalt  }
0x57: {  	_ =	shalt  }
0x58: {  	_ =	shalt  }
0x59: {  	_ =	shalt  }
0x5a: {  	_ =	shalt  }
0x5b: {  	_ =	shalt  }
0x5c: {  	_ =	shalt  }
0x5d: {  	_ =	shalt  }
0x5e: {  	_ =	shalt  }
0x5f: {  	_ =	shalt  }
0x60: {  	_ =	shalt  }
0x61: {  	_ =	shalt  }
0x62: {  	_ =	shalt  }
0x63: {  	_ =	shalt  }
0x64: {  	_ =	shalt  }
0x65: {  	_ =	shalt  }
0x66: {  	_ =	shalt  }
0x67: {  	_ =	shalt  }
0x68: {  	_ =	shalt  }
0x69: {  	_ =	shalt  }
0x6a: {  	_ =	shalt  }
0x6b: {  	_ =	shalt  }
0x6c: {  	_ =	shalt  }
0x6d: {  	_ =	shalt  }
0x6e: {  	_ =	shalt  }
0x6f: {  	_ =	shalt  }
0x70: {  	_ =	shalt  }
0x71: {  	_ =	shalt  }
0x72: {  	_ =	shalt  }
0x73: {  	_ =	shalt  }
0x74: {  	_ =	shalt  }
0x75: {  	_ =	shalt  }
0x76: {  	_ =	shalt  }
0x77: {  	_ =	shalt  }
0x78: {  	_ =	shalt  }
0x79: {  	_ =	shalt  }
0x7a: {  	_ =	shalt  }
0x7b: {  	_ =	shalt  }
0x7c: {  	_ =	shalt  }
0x7d: {  	_ =	shalt  }
0x7e: {  	_ =	shalt  }
0x7f: {  	_ =	shalt  }
0x80: {  	_ =	shalt  }
0x81: {  	_ =	shalt  }
0x82: {  	_ =	shalt  }
0x83: {  	_ =	shalt  }
0x84: {  	_ =	shalt  }
0x85: {  	_ =	shalt  }
0x86: {  	_ =	shalt  }
0x87: {  	_ =	shalt  }
.Lfunc_end0:
.L_simem_size_0:
called_computation_lowered:
.L_overlay_start_0:
0x88: {  	s2 =	sld [smem:$0x3FD9]  }
0x89: {  	s3 =	sld [smem:$0x3FFE];
	_ =	sdelay $0x1  }
0x8a: {  	s1 =	srdreg.scid  }
0x8b: {  	s0 =	sand.u32 $0x1, s1  }
0x8c: {  	s17 =	sshll.u32 s0, $0xA;
	s2 =	sadd.s32 s3, s2  }
0x8d: {  	s2 =	sadd.s32 s2, s17  }
0x8e: {  	[smem:$0x3FC4] =	sst s2  }
0x8f: {  	_ = 	snop  }
0x90: {  	s2 =	sld [smem:$0x3FD0];
	(tm) =	ssettm $0x1  }
0x91: {  	s18 =	sld [smem:$0x3FFB];
	_ =	sdelay $0x3  }
0x92: {  	_ =	strace s18  }
0x93: {  	s3 =	sld [smem:$0x3FFC];
	_ =	sdelay $0x3  }
0x94: {  	_ =	strace s3  }
0x95: {  	s3 =	sld [smem:$0x3FFD];
	_ =	sdelay $0x3  }
0x96: {  	_ =	strace s3  }
0x97: {  	_ =	strace $0x8FFFFFFF  }
0x98: {  	s19 =	sld [smem:$0x3FDB];
	_ =	sdelay $0x1  }
0x99: {  	s4 =	simm.s32 $_scs_section_size  }
0x9a: {  	s5 =	simm.s32 $_size__tile_overlayer_lowered;
	s6 =	simm.s32 $_tile_overlayer_lowered  }
0x9b: {  	s22 =	simm.s32 $0x1BFF;
	s21 =	sshll.u32 s6, $0x1;
	s3 =	sadd.s32 s4, s19  }
0x9c: {  	s7 =	simm.s32 $0x0;
	s20 =	sshll.u32 s5, $0x1;
	s5 =	sadd.s32 s21, s3  }
0x9d: {  	[timem:s7], [sflag:s22] =	dma.local [hbm:s5], s20  }
0x9e: {  	_ =	swait.ge [sflag:s22], s20  }
0x9f: {  	s4 =	ssub.s32 $0x0, s20;
	[sflag:s22] =	ssyncset.done $0x0  }
0xa0: {  	[sflag:s22] =	ssyncadd.s32 s4;
	_ =	sdelay $0x1  }
0xa1: {  	s23 =	simm.s32 $0x1B8B  }
0xa2: {  	_ =	swait.ge [sflag:s23], $0x1  }
0xa3: {  	[sflag:s23] =	ssyncset.done $0x0  }
0xa4: {  	s25 =	simm.s32 $0x1B8E;
	s24 =	sld [smem:$0x3FFE];
	[sflag:s23] =	ssyncadd.s32 $0xFFFFFFFF  }
0xa5: {  	s26 =	simm.s32 $execute0_lowered;
	[smem:$0x3FD2] =	sst s25  }
0xa6: {  	s5 =	sshll.u32 s26, $0x1;
	_ =	strace $0x80000046;
	[dreg:$0x1] =	wrdreg $0xFFFFFFFF  }
0xa7: {  	s28 =	simm.s32 $_size_execute0_lowered;
	s3 =	sadd.s32 s3, s5;
	[dreg:$0x0] =	wrdreg $0x0  }
0xa8: {  	s5 =	sshll.u32 s28, $0x1;
	[dreg:$0x2] =	wrdreg s3  }
0xa9: {  	[dreg:$0x3] =	wrdreg s5  }
0xaa: {  	[dreg:$0x4] =	wrdreg $0xC0  }
0xab: {  	_ =	task [dreg:s7], $0x5FFFF  }
0xac: {  	[dreg:$0x1] =	wrdreg $0xFFFFFFFF  }
0xad: {  	[dreg:$0x0] =	wrdreg $0x60  }
0xae: {  	[dreg:$0x2] =	wrdreg s24  }
0xaf: {  	[dreg:$0x3] =	wrdreg s2  }
0xb0: {  	[dreg:$0x4] =	wrdreg $0x68000  }
0xb1: {  	[dreg:$0x5] =	wrdreg $0x9  }
0xb2: {  	_ =	task.clear_ibuf [dreg:s7], $0x6FFFF;
	_ =	strace $0x90000046  }
0xb3: {  	s29 =	simm.s32 $0x9;
	_ =	strace $0x80000048  }
0xb4: {  	_ =	swait.ge [sflag:s29], $0x1  }
0xb5: {  	[sflag:s29] =	ssyncadd.s32 $0xFFFFFFFF  }
0xb6: {  	_ =	strace $0x90000048  }
0xb7: {  	_ =	sfence  }
0xb8: {  	s30 =	sld [smem:$0x0];
	_ =	sdelay $0x2  }
0xb9: {  	s31 =	sshll.u32 s1, $0xD;
	s1 =	sshrl.u32 s1, $0x2  }
0xba: {  	s3 =	sand.u32 $0x4000, s31;
	s1 =	sadd.s32 s1, s30  }
0xbb: {  	s0 =	sor.u32 s3, s0;
	s1 =	sshll.u32 s1, $0x11  }
0xbc: {  	s0 =	sor.u32 s1, s0  }
0xbd: {  	s0 =	sadd.s32 $0x8F2B, s0  }
0xbe: {  	[sflag:s0] =	ssyncadd.remote.s32 $0x1  }
0xbf: {  	_ =	sfence.sel $0xFFFF  }
0xc0: {  	[dreg:$0x0] =	wrdreg $0xFFFFFFFF;
	(pc) =	sbr.abs _section_cstart, $3  }
0xc1: {  	[dreg:$0x1] =	wrdreg $0xFFFFFFFF  }
0xc2: {  	_ =	task.clear_ibuf [dreg:s7], $0x2FFFF;
	_ =	strace $0x9FFFFFFF  }
0xc3: {  	(tm) =	ssettm $0x7FFFFFFF  }
tec
execute0_lowered:
.L_overlay_start_1:
0x0: {  	(tag) =	ssettag $0x1  }
0x1: {  	s5 =	rddreg [dreg:$0x0]  }
0x2: {  	s0 =	srdreg.scid;
	s8 =	rddreg [dreg:$0x1]  }
0x3: {  	s2 =	rddreg [dreg:$0x2];
	s3 =	simm.s32 $0x0;
	s14 =	simm.s32 $0x100  }
0x4: {  	s15 =	simm.s32 $0x180;
	s16 =	simm.s32 $0x200;
	s17 =	simm.s32 $0x280  }
0x5: {  	s18 =	simm.s32 $0x300;
	s6 =	sand.u32 $0x1, s0;
	s0 =	stileid.u32  }
0x6: {  	s19 =	simm.s32 $0x380;
	s20 =	simm.s32 $0x1;
	s9 =	smul.u32 $0x14000, s0  }
0x7: {  	s21 =	simm.s32 $0x0;
	[smem:$0x7FF] =	sst s3;
	s11 =	smul.u32 $0x50000, s0  }
0x8: {  	s1 =	sshll.u32 s6, $0x4;
	s10 =	ssub.s32 $0x2, s6;
	s6 =	smul.u32 $0x140000, s6  }
0x9: {  	s31 =	sshll.u32 s0, $0x6;
	s4 =	sor.u32 s0, s1;
	s1 =	rddreg [dreg:$0x3]  }
0xa: {  	_ =	strace $0x80000047;
	s13 =	sshrl.u32 s10, $0x1;
	s4 =	smul.u32 $0x500, s4  }
0xb: {  	s12 =	sshrl.u32 s9, $0x3;
	s10 =	ssub.s32 s10, s13;
	s11 =	sshrl.u32 s11, $0x2  }
0xc: {  	s9 =	sadd.s32 s9, s6;
	s6 =	sor.u32 $0x1C02, s31;
	s13 =	simm.s32 $0x80  }
0xd: {  	s11 =	sadd.s32 s11, s2;
	s9 =	sshrl.u32 s9, $0x3;
	s7 =	sadd.s32 s4, s5  }
0xe: {  	s4 =	sadd.s32 $0x16200, s5;
	s5 =	sadd.s32 s12, s5;
	s8 =	sadd.s32 s8, s9  }
0xf: {  	s9 =	smax.u32 s10, $0x1;
	s10 =	sshrl.u32 s11, $0x3;
	s11 =	simm.s32 $0x2  }
0x10: {  	s12 =	simm.s32 $0x2800;
	s5 =	sadd.s32 $0x16A00, s5;
	s7 =	sadd.s32 $0xC200, s7  }
.LBB2_1:
0x11: {  	[spmem:s10], [sflag:s6] =	dma.local [hbm:s5], $0x2800  }
0x12: {  	_ =	swait.ge [sflag:s11], $0x2800  }
0x13: {  	[sflag:s11] =	ssyncset.done $0x0  }
0x14: {  	[sflag:s11] =	ssyncadd.s32 $0xFFFFD800  }
0x15: {  	[tilespmem:s12], [sflag:$0x2] =	stream.linear.gather [hbm4b:s4+s3], $0x4000, $0x38;
	[tilespmem:$0x1A800] =	vst v63  }
0x16: {  	_ =	swait.ge [sflag:s11], $0x4000  }
0x17: {  	[sflag:s11] =	ssyncset.done $0x0  }
0x18: {  	[sflag:s11] =	ssyncadd.s32 $0xFFFFC000  }
0x19: {  	[bflag:$0x0] =	sbarrier.arrive $0xFFFF  }
0x1a: {  	[tilespmem:s3], [sflag:$0x2] =	stream.linear.gather [hbm4b:s7+s3], $0x2800, $0x38;
	[tilespmem:$0x1A800] =	vst v63  }
0x1b: {  	_ =	swait.ge [sflag:s11], $0x2800  }
0x1c: {  	[sflag:s11] =	ssyncset.done $0x0  }
0x1d: {  	[sflag:s11] =	ssyncadd.s32 $0xFFFFD800  }
0x1e: {  	[spmem:s2] =	stream.indirect.scatter.add.f32 [tilespmem:s12], [sflag:$0x1], $0x80, s3, s13, $0xb8;
	[tilespmem:$0x1A800] =	vst v63  }
0x1f: {  	_ = 	snop  }
0x20: {  	[spmem:s2] =	stream.indirect.scatter.add.f32 [tilespmem:s12], [sflag:$0x1], $0x80, s13, s13, $0xb8;
	[tilespmem:$0x1A800] =	vst v63  }
0x21: {  	_ = 	snop  }
0x22: {  	[spmem:s2] =	stream.indirect.scatter.add.f32 [tilespmem:s12], [sflag:$0x1], $0x80, s14, s13, $0xb8;
	[tilespmem:$0x1A800] =	vst v63  }
0x23: {  	_ = 	snop  }
0x24: {  	[spmem:s2] =	stream.indirect.scatter.add.f32 [tilespmem:s12], [sflag:$0x1], $0x80, s15, s13, $0xb8;
	[tilespmem:$0x1A800] =	vst v63  }
0x25: {  	_ = 	snop  }
0x26: {  	[spmem:s2] =	stream.indirect.scatter.add.f32 [tilespmem:s12], [sflag:$0x1], $0x80, s16, s13, $0xb8;
	[tilespmem:$0x1A800] =	vst v63  }
0x27: {  	_ = 	snop  }
0x28: {  	[spmem:s2] =	stream.indirect.scatter.add.f32 [tilespmem:s12], [sflag:$0x1], $0x80, s17, s13, $0xb8;
	[tilespmem:$0x1A800] =	vst v63  }
0x29: {  	_ = 	snop  }
0x2a: {  	[spmem:s2] =	stream.indirect.scatter.add.f32 [tilespmem:s12], [sflag:$0x1], $0x80, s18, s13, $0xb8;
	[tilespmem:$0x1A800] =	vst v63  }
0x2b: {  	_ = 	snop  }
0x2c: {  	[spmem:s2] =	stream.indirect.scatter.add.f32 [tilespmem:s12], [sflag:$0x1], $0x80, s19, s13, $0xb8;
	[tilespmem:$0x1A800] =	vst v63  }
0x2d: {  	_ =	swait.ge [sflag:s20], $0x4000  }
0x2e: {  	[sflag:s20] =	ssyncset.done $0x0  }
0x2f: {  	s22 =	simm.s32 $0x1200;
	s23 =	simm.s32 $0x400;
	[sflag:s20] =	ssyncadd.s32 $0xFFFFC000  }
.LBB2_2:
0x30: {  	[spmem:s2] =	stream.indirect.scatter.add.f32 [tilespmem:s12], [sflag:$0x1], $0x80, s23, s13, $0xb8;
	[tilespmem:$0x1A800] =	vst v63  }
0x31: {  	s23 =	smov.u32 s22;
	p0 =	sne.s32 s22, $0x9E00  }
.Ltmp0:
0x32: {  	s22 =	sadd.s32 $0x200, s22;
	(pc) =	sbr.rel @p0 .LBB2_2-.Ltmp0, $4  }
0x33: {  	_ = 	snop  }
0x34: {  	_ =	swait.ge [sflag:s20], $0x4000  }
0x35: {  	[sflag:s20] =	ssyncset.done $0x0  }
0x36: {  	s23 =	sshra.s32 s23, $0x2;
	[sflag:s20] =	ssyncadd.s32 $0xFFFFC000  }
0x37: {  	[spmem:s2] =	stream.indirect.scatter.add.f32 [tilespmem:s12], [sflag:$0x1], $0x80, s23, s13, $0xb8;
	[tilespmem:$0x1A800] =	vst v63  }
0x38: {  	_ =	swait.ge [sflag:s20], $0x4000  }
0x39: {  	[sflag:s20] =	ssyncset.done $0x0  }
0x3a: {  	[sflag:s20] =	ssyncadd.s32 $0xFFFFC000  }
0x3b: {  	_ =	swait.ge [sflag:s20], $0x4000  }
0x3c: {  	[sflag:s20] =	ssyncset.done $0x0  }
0x3d: {  	[sflag:s20] =	ssyncadd.s32 $0xFFFFC000  }
0x3e: {  	_ =	swait.ge [sflag:s20], $0x4000  }
0x3f: {  	[sflag:s20] =	ssyncset.done $0x0  }
0x40: {  	[sflag:s20] =	ssyncadd.s32 $0xFFFFC000  }
0x41: {  	_ =	swait.ge [sflag:s20], $0x4000  }
0x42: {  	[sflag:s20] =	ssyncset.done $0x0  }
0x43: {  	[sflag:s20] =	ssyncadd.s32 $0xFFFFC000  }
0x44: {  	_ =	swait.ge [sflag:s20], $0x4000  }
0x45: {  	[sflag:s20] =	ssyncset.done $0x0  }
0x46: {  	[sflag:s20] =	ssyncadd.s32 $0xFFFFC000  }
0x47: {  	_ =	swait.ge [sflag:s20], $0x4000  }
0x48: {  	[sflag:s20] =	ssyncset.done $0x0  }
0x49: {  	[sflag:s20] =	ssyncadd.s32 $0xFFFFC000  }
0x4a: {  	_ =	swait.ge [sflag:s20], $0x4000  }
0x4b: {  	[sflag:s20] =	ssyncset.done $0x0  }
0x4c: {  	[sflag:s20] =	ssyncadd.s32 $0xFFFFC000  }
0x4d: {  	_ =	swait.ge [sflag:s20], $0x4000  }
0x4e: {  	s21 =	sadd.s32 $0x1, s21;
	[sflag:s20] =	ssyncset.done $0x0  }
0x4f: {  	p0 =	sne.s32 s21, s9;
	[sflag:s20] =	ssyncadd.s32 $0xFFFFC000  }
.Ltmp1:
0x50: {  	[bflag:$0x0] =	sbarrier.arrive $0xFFFF;
	(pc) =	sbr.rel @p0 .LBB2_1-.Ltmp1, $4  }
0x51: {  	[hbm:s8], [sflag:s6] =	dma.local [spmem:s10], $0x2800  }
0x52: {  	_ =	swait.ge [sflag:s11], $0x2800  }
0x53: {  	[sflag:s11] =	ssyncset.done $0x0  }
0x54: {  	[sflag:s11] =	ssyncadd.s32 $0xFFFFD800  }
0x55: {  	_ =	sfence.sel $0x180000  }
0x56: {  	[bflag:$0x0] =	sbarrier.arrive $0xFFFF  }
0x57: {  	p0 =	sne.s32 s0, $0x0;
	_ =	strace $0x90000047  }
0x58: {  	s0 =	sadd.s32 @!p0 $0x100000, s1;
	[bflag:$0x2] =	sbarrier.arrive $0xFFFF  }
0x59: {  	[sflag:s0] =	ssyncadd.tile.s32 @!p0 $0x1;
	_ =	shalt  }
.Lfunc_end2:
_tile_overlayer_lowered:
.L_overlay_start_2:
0x5a: {  	(tag) =	ssettag $0x2  }
0x5b: {  	s0 =	rddreg [dreg:$0x0];
	s2 =	stileid.u32  }
0x5c: {  	s1 =	rddreg [dreg:$0x1];
	p0 =	sne.s32 s2, $0x0  }
0x5d: {  	s3 =	rddreg [dreg:$0x2];
	[bflag:$0x3] =	sbarrier.arrive $0xFFFF;
	s2 =	simm.s32 @!p0 $0x1C02  }
0x5e: {  	[timem:s3], [sflag:s2] =	dma.local @!p0 [hbm:s0], s1  }
0x5f: {  	s0 =	simm.s32 @!p0 $0x2  }
0x60: {  	_ =	swait.ge @!p0 [sflag:s0], s1  }
0x61: {  	s1 =	ssub.s32 @!p0 $0x0, s1;
	[sflag:s0] =	ssyncset.done @!p0 $0x0  }
0x62: {  	[sflag:s0] =	ssyncadd.s32 @!p0 s1  }
0x63: {  	[bflag:$0x3] =	sbarrier.arrive $0xFFFF  }
0x64: {  	_ =	shalt  }

// kernel: kernel.13.cloned.1.call-start
scs
__scs_entry_jumppad:
0x0: {  	(pc) =	sbr.rel $0x88, $3  }
0x1: {  	(tag) =	ssettag $0x0;
	lr =	simm.s32 $0x1  }
0x2: {  	[smem:$0x3F9D] =	sst lr;
	_ =	strace $0xD0000000  }
0x3: {  	_ = 	snop  }
0x4: {  	_ = 	snop  }
0x5: {  	_ = 	snop  }
0x6: {  	_ = 	snop  }
0x7: {  	_ = 	snop  }
__scs_overlays_trampoline_lowered:
0x8: {  	[smem:$0x3FAC] =	sst s0  }
0x9: {  	[smem:$0x3FAD] =	sst s1  }
0xa: {  	[smem:$0x3FAE] =	sst s2  }
0xb: {  	[smem:$0x3FAF] =	sst s3  }
0xc: {  	[smem:$0x3FB0] =	sst s4  }
0xd: {  	[smem:$0x3FB1] =	sst s5  }
0xe: {  	[smem:$0x3FB2] =	sst s6  }
0xf: {  	[smem:$0x3FB3] =	sst s7  }
0x10: {  	[smem:$0x3FB4] =	sst s8  }
0x11: {  	[smem:$0x3FB5] =	sst s9;
	s0 =	simm.s32 @!p0 $0x0  }
0x12: {  	s1 =	sld [smem:$0x3F9B];
	s0 =	simm.s32 @p0 $0x1  }
0x13: {  	[smem:$0x3FB6] =	sst s0;
	s0 =	simm.s32 @!p1 $0x0  }
0x14: {  	s2 =	sld [smem:$0x3F9A];
	s0 =	simm.s32 @p1 $0x1  }
0x15: {  	[smem:$0x3FB7] =	sst s0;
	s0 =	simm.s32 @!p2 $0x0  }
0x16: {  	s3 =	sld [smem:$0x3FDB];
	s0 =	simm.s32 @p2 $0x1  }
0x17: {  	s4 =	simm.s32 $0x1BF5;
	[smem:$0x3FB9] =	sst s0  }
0x18: {  	s0 =	sld [smem:$0x3F9C];
	_ =	swait.ge [sflag:s4], $0x0  }
0x19: {  	s7 =	sld [smem:$0x3F9D]  }
0x1a: {  	s8 =	sadd.s32 $0xFFFFE003, lr  }
0x1b: {  	s9 =	sadd.s32 $0xFFFFFEF7, lr;
	s5 =	simm.s32 $0xFFFFFFFF;
	p2 =	slt.u32 s8, $0xFFFFF086  }
0x1c: {  	p1 =	slt.u32 s9, $0xF7A;
	s5 =	simm.s32 @!p2 $0x0  }
0x1d: {  	s5 =	simm.s32 @p1 $0x1;
	p0 =	seq.s32 s7, s2  }
0x1e: {  	s7 =	smul.u32 @!p0 $0xF7A, s2;
	p2 =	seq.s32 @!p0 s5, $0x0  }
0x1f: {  	s9 =	smul.u32 $0xF7A, s1;
	s8 =	simm.s32 @!p0 $0x1BF5;
	p2 =	por !p2, p0  }
0x20: {  	[sflag:s8] =	ssyncset.s32 @!p0 $0xFFFFF086;
	s6 =	sadd.s32 @!p0 s3, s7;
	s7 =	simm.s32 @!p0 $0x108  }
0x21: {  	s3 =	sadd.s32 s3, s9;
	s6 =	sadd.s32 @!p0 $0x88, s6;
	s7 =	simm.s32 @p2 $0x1082  }
0x22: {  	[simem:s7], [sflag:s8] =	dma.local @!p0 [hbm:s6], $0xF7A  }
0x23: {  	s9 =	sor.u32 $0xD0000000, s2;
	s6 =	simm.s32 $0x108;
	_ =	swait.ge @!p0 [sflag:s8], $0x0  }
0x24: {  	s3 =	sadd.s32 $0x88, s3;
	s6 =	simm.s32 @!p1 $0x1082;
	[sflag:s4] =	ssyncset.s32 $0xFFFFF086  }
0x25: {  	[simem:s6], [sflag:s4] =	dma.local [hbm:s3], $0xF7A  }
0x26: {  	[smem:$0x3F9D] =	sst s1;
	(tag) =	ssettag s2;
	_ =	strace s9  }
0x27: {  	s1 =	sld [smem:$0x3FAD]  }
0x28: {  	s2 =	sld [smem:$0x3FAE]  }
0x29: {  	s4 =	sld [smem:$0x3FB0]  }
0x2a: {  	p0 =	seq.s32 s5, $0x0;
	s5 =	sld [smem:$0x3FB1]  }
0x2b: {  	s6 =	sld [smem:$0x3FB2]  }
0x2c: {  	s7 =	sld [smem:$0x3FB3]  }
0x2d: {  	s3 =	simm.s32 $0x108;
	s8 =	sld [smem:$0x3FB4]  }
0x2e: {  	s3 =	simm.s32 @!p0 $0x1082;
	s9 =	sld [smem:$0x3FB5]  }
0x2f: {  	lr =	sadd.s32 s0, s3;
	s0 =	sld [smem:$0x3FAC]  }
0x30: {  	s3 =	sld [smem:$0x3FAF]  }
0x31: {  	[smem:$0x3FB8] =	sst s10  }
0x32: {  	s10 =	sld [smem:$0x3FB6];
	_ =	sdelay $0x3  }
0x33: {  	p0 =	seq.s32 s10, $0x1;
	s10 =	sld [smem:$0x3FB8];
	_ =	sdelay $0x3  }
0x34: {  	[smem:$0x3FB8] =	sst s10  }
0x35: {  	s10 =	sld [smem:$0x3FB7];
	_ =	sdelay $0x3  }
0x36: {  	p1 =	seq.s32 s10, $0x1;
	s10 =	sld [smem:$0x3FB8];
	_ =	sdelay $0x3  }
0x37: {  	[smem:$0x3FB8] =	sst s10  }
0x38: {  	s10 =	sld [smem:$0x3FB9]  }
0x39: {  	_ = 	snop;
	(pc) =	sbr.ind lr, $3  }
0x3a: {  	_ = 	snop  }
0x3b: {  	_ = 	snop  }
0x3c: {  	p2 =	seq.s32 s10, $0x1;
	s10 =	sld [smem:$0x3FB8]  }
0x3d: {  	_ =	shalt  }
0x3e: {  	_ =	shalt  }
0x3f: {  	_ =	shalt  }
0x40: {  	_ =	shalt  }
0x41: {  	_ =	shalt  }
0x42: {  	_ =	shalt  }
0x43: {  	_ =	shalt  }
0x44: {  	_ =	shalt  }
0x45: {  	_ =	shalt  }
0x46: {  	_ =	shalt  }
0x47: {  	_ =	shalt  }
0x48: {  	_ =	shalt  }
0x49: {  	_ =	shalt  }
0x4a: {  	_ =	shalt  }
0x4b: {  	_ =	shalt  }
0x4c: {  	_ =	shalt  }
0x4d: {  	_ =	shalt  }
0x4e: {  	_ =	shalt  }
0x4f: {  	_ =	shalt  }
0x50: {  	_ =	shalt  }
0x51: {  	_ =	shalt  }
0x52: {  	_ =	shalt  }
0x53: {  	_ =	shalt  }
0x54: {  	_ =	shalt  }
0x55: {  	_ =	shalt  }
0x56: {  	_ =	shalt  }
0x57: {  	_ =	shalt  }
0x58: {  	_ =	shalt  }
0x59: {  	_ =	shalt  }
0x5a: {  	_ =	shalt  }
0x5b: {  	_ =	shalt  }
0x5c: {  	_ =	shalt  }
0x5d: {  	_ =	shalt  }
0x5e: {  	_ =	shalt  }
0x5f: {  	_ =	shalt  }
0x60: {  	_ =	shalt  }
0x61: {  	_ =	shalt  }
0x62: {  	_ =	shalt  }
0x63: {  	_ =	shalt  }
0x64: {  	_ =	shalt  }
0x65: {  	_ =	shalt  }
0x66: {  	_ =	shalt  }
0x67: {  	_ =	shalt  }
0x68: {  	_ =	shalt  }
0x69: {  	_ =	shalt  }
0x6a: {  	_ =	shalt  }
0x6b: {  	_ =	shalt  }
0x6c: {  	_ =	shalt  }
0x6d: {  	_ =	shalt  }
0x6e: {  	_ =	shalt  }
0x6f: {  	_ =	shalt  }
0x70: {  	_ =	shalt  }
0x71: {  	_ =	shalt  }
0x72: {  	_ =	shalt  }
0x73: {  	_ =	shalt  }
0x74: {  	_ =	shalt  }
0x75: {  	_ =	shalt  }
0x76: {  	_ =	shalt  }
0x77: {  	_ =	shalt  }
0x78: {  	_ =	shalt  }
0x79: {  	_ =	shalt  }
0x7a: {  	_ =	shalt  }
0x7b: {  	_ =	shalt  }
0x7c: {  	_ =	shalt  }
0x7d: {  	_ =	shalt  }
0x7e: {  	_ =	shalt  }
0x7f: {  	_ =	shalt  }
0x80: {  	_ =	shalt  }
0x81: {  	_ =	shalt  }
0x82: {  	_ =	shalt  }
0x83: {  	_ =	shalt  }
0x84: {  	_ =	shalt  }
0x85: {  	_ =	shalt  }
0x86: {  	_ =	shalt  }
0x87: {  	_ =	shalt  }
.Lfunc_end0:
.L_simem_size_0:
called_computation.1_lowered:
.L_overlay_start_0:
0x88: {  	s2 =	sld [smem:$0x3FD9]  }
0x89: {  	s3 =	sld [smem:$0x3FFE];
	_ =	sdelay $0x1  }
0x8a: {  	s1 =	srdreg.scid  }
0x8b: {  	s0 =	sand.u32 $0x1, s1  }
0x8c: {  	s17 =	sshll.u32 s0, $0xA;
	s2 =	sadd.s32 s3, s2  }
0x8d: {  	s2 =	sadd.s32 s2, s17  }
0x8e: {  	[smem:$0x3FC4] =	sst s2  }
0x8f: {  	_ = 	snop  }
0x90: {  	s2 =	sld [smem:$0x3FD0];
	(tm) =	ssettm $0x1  }
0x91: {  	s18 =	sld [smem:$0x3FFB];
	_ =	sdelay $0x3  }
0x92: {  	_ =	strace s18  }
0x93: {  	s3 =	sld [smem:$0x3FFC];
	_ =	sdelay $0x3  }
0x94: {  	_ =	strace s3  }
0x95: {  	s3 =	sld [smem:$0x3FFD];
	_ =	sdelay $0x3  }
0x96: {  	_ =	strace s3  }
0x97: {  	_ =	strace $0x8FFFFFFF  }
0x98: {  	s19 =	sld [smem:$0x3FDB];
	_ =	sdelay $0x1  }
0x99: {  	s4 =	simm.s32 $_scs_section_size  }
0x9a: {  	s5 =	simm.s32 $_size__tile_overlayer_lowered;
	s6 =	simm.s32 $_tile_overlayer_lowered  }
0x9b: {  	s22 =	simm.s32 $0x1BFF;
	s21 =	sshll.u32 s6, $0x1;
	s3 =	sadd.s32 s4, s19  }
0x9c: {  	s7 =	simm.s32 $0x0;
	s20 =	sshll.u32 s5, $0x1;
	s5 =	sadd.s32 s21, s3  }
0x9d: {  	[timem:s7], [sflag:s22] =	dma.local [hbm:s5], s20  }
0x9e: {  	_ =	swait.ge [sflag:s22], s20  }
0x9f: {  	s4 =	ssub.s32 $0x0, s20;
	[sflag:s22] =	ssyncset.done $0x0  }
0xa0: {  	[sflag:s22] =	ssyncadd.s32 s4;
	_ =	sdelay $0x1  }
0xa1: {  	s23 =	simm.s32 $0x1B8B  }
0xa2: {  	_ =	swait.ge [sflag:s23], $0x1  }
0xa3: {  	[sflag:s23] =	ssyncset.done $0x0  }
0xa4: {  	s25 =	simm.s32 $0x1B8E;
	s24 =	sld [smem:$0x3FFE];
	[sflag:s23] =	ssyncadd.s32 $0xFFFFFFFF  }
0xa5: {  	s26 =	simm.s32 $execute0_lowered;
	[smem:$0x3FD2] =	sst s25  }
0xa6: {  	s5 =	sshll.u32 s26, $0x1;
	_ =	strace $0x80000049;
	[dreg:$0x1] =	wrdreg $0xFFFFFFFF  }
0xa7: {  	s28 =	simm.s32 $_size_execute0_lowered;
	s3 =	sadd.s32 s3, s5;
	[dreg:$0x0] =	wrdreg $0x0  }
0xa8: {  	s5 =	sshll.u32 s28, $0x1;
	[dreg:$0x2] =	wrdreg s3  }
0xa9: {  	[dreg:$0x3] =	wrdreg s5  }
0xaa: {  	[dreg:$0x4] =	wrdreg $0xC0  }
0xab: {  	_ =	task [dreg:s7], $0x5FFFF  }
0xac: {  	[dreg:$0x1] =	wrdreg $0xFFFFFFFF  }
0xad: {  	[dreg:$0x0] =	wrdreg $0x60  }
0xae: {  	[dreg:$0x2] =	wrdreg s24  }
0xaf: {  	[dreg:$0x3] =	wrdreg s2  }
0xb0: {  	[dreg:$0x4] =	wrdreg $0x41000  }
0xb1: {  	[dreg:$0x5] =	wrdreg $0x9  }
0xb2: {  	_ =	task.clear_ibuf [dreg:s7], $0x6FFFF;
	_ =	strace $0x90000049  }
0xb3: {  	s29 =	simm.s32 $0x9;
	_ =	strace $0x8000004B  }
0xb4: {  	_ =	swait.ge [sflag:s29], $0x1  }
0xb5: {  	[sflag:s29] =	ssyncadd.s32 $0xFFFFFFFF  }
0xb6: {  	_ =	strace $0x9000004B  }
0xb7: {  	_ =	sfence  }
0xb8: {  	s30 =	sld [smem:$0x0];
	_ =	sdelay $0x2  }
0xb9: {  	s31 =	sshll.u32 s1, $0xD;
	s1 =	sshrl.u32 s1, $0x2  }
0xba: {  	s3 =	sand.u32 $0x4000, s31;
	s1 =	sadd.s32 s1, s30  }
0xbb: {  	s0 =	sor.u32 s3, s0;
	s1 =	sshll.u32 s1, $0x11  }
0xbc: {  	s0 =	sor.u32 s1, s0  }
0xbd: {  	s0 =	sadd.s32 $0x8F2B, s0  }
0xbe: {  	[sflag:s0] =	ssyncadd.remote.s32 $0x1  }
0xbf: {  	_ =	sfence.sel $0xFFFF  }
0xc0: {  	[dreg:$0x0] =	wrdreg $0xFFFFFFFF;
	(pc) =	sbr.abs _section_cstart, $3  }
0xc1: {  	[dreg:$0x1] =	wrdreg $0xFFFFFFFF  }
0xc2: {  	_ =	task.clear_ibuf [dreg:s7], $0x2FFFF;
	_ =	strace $0x9FFFFFFF  }
0xc3: {  	(tm) =	ssettm $0x7FFFFFFF  }
tec
execute0_lowered:
.L_overlay_start_1:
0x0: {  	(tag) =	ssettag $0x1  }
0x1: {  	s5 =	rddreg [dreg:$0x0]  }
0x2: {  	s7 =	rddreg [dreg:$0x1]  }
0x3: {  	s1 =	rddreg [dreg:$0x2];
	s3 =	srdreg.scid  }
0x4: {  	s0 =	rddreg [dreg:$0x3];
	s2 =	simm.s32 $0x0;
	s6 =	sand.u32 $0x1, s3  }
0x5: {  	s14 =	simm.s32 $0x100;
	s3 =	stileid.u32;
	s8 =	smul.u32 $0x5000, s6  }
0x6: {  	s15 =	simm.s32 $0x1;
	s16 =	simm.s32 $0x0;
	s9 =	smul.u32 $0x14000, s3  }
0x7: {  	[smem:$0x7FF] =	sst s2;
	s4 =	sadd.s32 $0x3EA00, s5;
	s11 =	smul.u32 $0x50000, s3  }
0x8: {  	_ =	strace $0x8000004A;
	s10 =	ssub.s32 $0x2, s6;
	s6 =	smul.u32 $0x140000, s6  }
0x9: {  	s28 =	smul.u32 $0x500, s3;
	s29 =	sshll.u32 s3, $0x6;
	s13 =	sshrl.u32 s10, $0x1  }
0xa: {  	s8 =	sadd.s32 s8, s5;
	s12 =	sshrl.u32 s9, $0x3;
	s10 =	ssub.s32 s10, s13  }
0xb: {  	s11 =	sshrl.u32 s11, $0x2;
	s6 =	sadd.s32 s9, s6;
	s13 =	simm.s32 $0x80  }
0xc: {  	s5 =	sadd.s32 s12, s5;
	s11 =	sadd.s32 s11, s1;
	s30 =	sshrl.u32 s6, $0x3  }
0xd: {  	s6 =	sor.u32 $0x1C02, s29;
	s31 =	sadd.s32 s28, s8;
	s8 =	smax.u32 s10, $0x1  }
0xe: {  	s12 =	simm.s32 $0x2;
	s5 =	sadd.s32 $0x16A00, s5;
	s7 =	sadd.s32 s7, s30  }
0xf: {  	s9 =	sadd.s32 $0x2200, s31;
	s10 =	sadd.s32 $0xC200, s31;
	s11 =	sshrl.u32 s11, $0x3  }
.LBB2_1:
0x10: {  	[spmem:s11], [sflag:s6] =	dma.local [hbm:s5], $0x2800  }
0x11: {  	_ =	swait.ge [sflag:s12], $0x2800  }
0x12: {  	[sflag:s12] =	ssyncset.done $0x0  }
0x13: {  	[sflag:s12] =	ssyncadd.s32 $0xFFFFD800  }
0x14: {  	s17 =	sadd.s32 $0x0, s10;
	[bflag:$0x0] =	sbarrier.arrive $0xFFFF  }
0x15: {  	[tilespmem:s2], [sflag:$0x2] =	stream.linear.gather [hbm4b:s17+s2], $0x80, $0x38;
	[tilespmem:$0x18100] =	vst v63  }
0x16: {  	_ =	swait.ge [sflag:s12], $0x80  }
0x17: {  	[sflag:s12] =	ssyncset.done $0x0  }
0x18: {  	s31 =	sadd.s32 $0x0, s9;
	[sflag:s12] =	ssyncadd.s32 $0xFFFFFF80  }
0x19: {  	[tilespmem:s13], [sflag:$0x2] =	stream.linear.gather [hbm4b:s31+s2], $0x80, $0x38;
	[tilespmem:$0x18100] =	vst v63  }
0x1a: {  	_ =	swait.ge [sflag:s12], $0x80  }
0x1b: {  	[sflag:s12] =	ssyncset.done $0x0  }
0x1c: {  	[sflag:s12] =	ssyncadd.s32 $0xFFFFFF80  }
0x1d: {  	[tilespmem:s14], [sflag:$0x1] =	stream.indirect.gather [hbm4b:s4+s13], $0x80, s2, s13, $0xb8;
	[tilespmem:$0x18100] =	vst v63  }
0x1e: {  	_ =	swait.ge [sflag:s15], $0x4000  }
0x1f: {  	[sflag:s15] =	ssyncset.done $0x0  }
0x20: {  	[sflag:s15] =	ssyncadd.s32 $0xFFFFC000  }
0x21: {  	[spmem:s1] =	stream.indirect.scatter.add.f32 [tilespmem:s14], [sflag:$0x2], $0x80, s13, s13, $0xb8;
	[tilespmem:$0x18100] =	vst v63  }
0x22: {  	_ =	swait.ge [sflag:s12], $0x4000  }
0x23: {  	s18 =	simm.s32 $0x20;
	s17 =	simm.s32 $0x10;
	[sflag:s12] =	ssyncset.done $0x0  }
.LBB2_2:
0x24: {  	s19 =	sadd.s32 s17, s10  }
0x25: {  	[sflag:s12] =	ssyncadd.s32 $0xFFFFC000;
	s20 =	smov.u32 s18;
	s21 =	sadd.s32 $0x10, s18  }
0x26: {  	[tilespmem:s2], [sflag:$0x2] =	stream.linear.gather [hbm4b:s19+s2], $0x80, $0x38;
	[tilespmem:$0x18100] =	vst v63  }
0x27: {  	p0 =	sne.s32 s18, $0x4F0;
	_ =	swait.ge [sflag:s12], $0x80  }
0x28: {  	[sflag:s12] =	ssyncset.done $0x0  }
0x29: {  	s18 =	sadd.s32 s17, s9;
	s17 =	smov.u32 s20;
	[sflag:s12] =	ssyncadd.s32 $0xFFFFFF80  }
0x2a: {  	[tilespmem:s13], [sflag:$0x2] =	stream.linear.gather [hbm4b:s18+s2], $0x80, $0x38;
	[tilespmem:$0x18100] =	vst v63  }
0x2b: {  	_ =	swait.ge [sflag:s12], $0x80  }
0x2c: {  	[sflag:s12] =	ssyncset.done $0x0  }
0x2d: {  	[sflag:s12] =	ssyncadd.s32 $0xFFFFFF80  }
0x2e: {  	[tilespmem:s14], [sflag:$0x1] =	stream.indirect.gather [hbm4b:s4+s13], $0x80, s2, s13, $0xb8;
	[tilespmem:$0x18100] =	vst v63  }
0x2f: {  	_ =	swait.ge [sflag:s15], $0x4000  }
.Ltmp0:
0x30: {  	[sflag:s15] =	ssyncset.done $0x0;
	(pc) =	sbr.rel @p0 .LBB2_2-.Ltmp0, $4  }
0x31: {  	[sflag:s15] =	ssyncadd.s32 $0xFFFFC000  }
0x32: {  	[spmem:s1] =	stream.indirect.scatter.add.f32 [tilespmem:s14], [sflag:$0x2], $0x80, s13, s13, $0xb8;
	[tilespmem:$0x18100] =	vst v63  }
0x33: {  	_ =	swait.ge [sflag:s12], $0x4000  }
0x34: {  	s18 =	smov.u32 s21;
	[sflag:s12] =	ssyncset.done $0x0  }
0x35: {  	s18 =	sadd.s32 s17, s10;
	[sflag:s12] =	ssyncadd.s32 $0xFFFFC000  }
0x36: {  	[tilespmem:s2], [sflag:$0x2] =	stream.linear.gather [hbm4b:s18+s2], $0x80, $0x38;
	[tilespmem:$0x18100] =	vst v63  }
0x37: {  	_ =	swait.ge [sflag:s12], $0x80  }
0x38: {  	[sflag:s12] =	ssyncset.done $0x0  }
0x39: {  	s31 =	sadd.s32 s17, s9;
	[sflag:s12] =	ssyncadd.s32 $0xFFFFFF80  }
0x3a: {  	[tilespmem:s13], [sflag:$0x2] =	stream.linear.gather [hbm4b:s31+s2], $0x80, $0x38;
	[tilespmem:$0x18100] =	vst v63  }
0x3b: {  	_ =	swait.ge [sflag:s12], $0x80  }
0x3c: {  	[sflag:s12] =	ssyncset.done $0x0  }
0x3d: {  	[sflag:s12] =	ssyncadd.s32 $0xFFFFFF80  }
0x3e: {  	[tilespmem:s14], [sflag:$0x1] =	stream.indirect.gather [hbm4b:s4+s13], $0x80, s2, s13, $0xb8;
	[tilespmem:$0x18100] =	vst v63  }
0x3f: {  	_ =	swait.ge [sflag:s15], $0x4000  }
0x40: {  	[sflag:s15] =	ssyncset.done $0x0  }
0x41: {  	[sflag:s15] =	ssyncadd.s32 $0xFFFFC000  }
0x42: {  	[spmem:s1] =	stream.indirect.scatter.add.f32 [tilespmem:s14], [sflag:$0x2], $0x80, s13, s13, $0xb8;
	[tilespmem:$0x18100] =	vst v63  }
0x43: {  	_ =	swait.ge [sflag:s12], $0x4000  }
0x44: {  	s16 =	sadd.s32 $0x1, s16;
	[sflag:s12] =	ssyncset.done $0x0  }
0x45: {  	p0 =	sne.s32 s16, s8;
	[sflag:s12] =	ssyncadd.s32 $0xFFFFC000  }
.Ltmp1:
0x46: {  	[bflag:$0x0] =	sbarrier.arrive $0xFFFF;
	(pc) =	sbr.rel @p0 .LBB2_1-.Ltmp1, $4  }
0x47: {  	[hbm:s7], [sflag:s6] =	dma.local [spmem:s11], $0x2800  }
0x48: {  	_ =	swait.ge [sflag:s12], $0x2800  }
0x49: {  	[sflag:s12] =	ssyncset.done $0x0  }
0x4a: {  	[sflag:s12] =	ssyncadd.s32 $0xFFFFD800  }
0x4b: {  	_ =	sfence.sel $0x180000  }
0x4c: {  	[bflag:$0x0] =	sbarrier.arrive $0xFFFF  }
0x4d: {  	p0 =	sne.s32 s3, $0x0;
	_ =	strace $0x9000004A  }
0x4e: {  	s0 =	sadd.s32 @!p0 $0x100000, s0;
	[bflag:$0x2] =	sbarrier.arrive $0xFFFF  }
0x4f: {  	[sflag:s0] =	ssyncadd.tile.s32 @!p0 $0x1;
	_ =	shalt  }
.Lfunc_end2:
_tile_overlayer_lowered:
.L_overlay_start_2:
0x50: {  	(tag) =	ssettag $0x2  }
0x51: {  	s0 =	rddreg [dreg:$0x0];
	s2 =	stileid.u32  }
0x52: {  	s1 =	rddreg [dreg:$0x1];
	p0 =	sne.s32 s2, $0x0  }
0x53: {  	s3 =	rddreg [dreg:$0x2];
	[bflag:$0x3] =	sbarrier.arrive $0xFFFF;
	s2 =	simm.s32 @!p0 $0x1C02  }
0x54: {  	[timem:s3], [sflag:s2] =	dma.local @!p0 [hbm:s0], s1  }
0x55: {  	s0 =	simm.s32 @!p0 $0x2  }
0x56: {  	_ =	swait.ge @!p0 [sflag:s0], s1  }
0x57: {  	s1 =	ssub.s32 @!p0 $0x0, s1;
	[sflag:s0] =	ssyncset.done @!p0 $0x0  }
0x58: {  	[sflag:s0] =	ssyncadd.s32 @!p0 s1  }
0x59: {  	[bflag:$0x3] =	sbarrier.arrive $0xFFFF  }
0x5a: {  	_ =	shalt  }

// kernel: kernel.16.cloned.1.call-start
scs
__scs_entry_jumppad:
0x0: {  	(pc) =	sbr.rel $0x88, $3  }
0x1: {  	(tag) =	ssettag $0x0;
	lr =	simm.s32 $0x1  }
0x2: {  	[smem:$0x3F9D] =	sst lr;
	_ =	strace $0xD0000000  }
0x3: {  	_ = 	snop  }
0x4: {  	_ = 	snop  }
0x5: {  	_ = 	snop  }
0x6: {  	_ = 	snop  }
0x7: {  	_ = 	snop  }
__scs_overlays_trampoline_lowered:
0x8: {  	[smem:$0x3FAC] =	sst s0  }
0x9: {  	[smem:$0x3FAD] =	sst s1  }
0xa: {  	[smem:$0x3FAE] =	sst s2  }
0xb: {  	[smem:$0x3FAF] =	sst s3  }
0xc: {  	[smem:$0x3FB0] =	sst s4  }
0xd: {  	[smem:$0x3FB1] =	sst s5  }
0xe: {  	[smem:$0x3FB2] =	sst s6  }
0xf: {  	[smem:$0x3FB3] =	sst s7  }
0x10: {  	[smem:$0x3FB4] =	sst s8  }
0x11: {  	[smem:$0x3FB5] =	sst s9;
	s0 =	simm.s32 @!p0 $0x0  }
0x12: {  	s1 =	sld [smem:$0x3F9B];
	s0 =	simm.s32 @p0 $0x1  }
0x13: {  	[smem:$0x3FB6] =	sst s0;
	s0 =	simm.s32 @!p1 $0x0  }
0x14: {  	s2 =	sld [smem:$0x3F9A];
	s0 =	simm.s32 @p1 $0x1  }
0x15: {  	[smem:$0x3FB7] =	sst s0;
	s0 =	simm.s32 @!p2 $0x0  }
0x16: {  	s3 =	sld [smem:$0x3FDB];
	s0 =	simm.s32 @p2 $0x1  }
0x17: {  	s4 =	simm.s32 $0x1BF5;
	[smem:$0x3FB9] =	sst s0  }
0x18: {  	s0 =	sld [smem:$0x3F9C];
	_ =	swait.ge [sflag:s4], $0x0  }
0x19: {  	s7 =	sld [smem:$0x3F9D]  }
0x1a: {  	s8 =	sadd.s32 $0xFFFFE003, lr  }
0x1b: {  	s9 =	sadd.s32 $0xFFFFFEF7, lr;
	s5 =	simm.s32 $0xFFFFFFFF;
	p2 =	slt.u32 s8, $0xFFFFF086  }
0x1c: {  	p1 =	slt.u32 s9, $0xF7A;
	s5 =	simm.s32 @!p2 $0x0  }
0x1d: {  	s5 =	simm.s32 @p1 $0x1;
	p0 =	seq.s32 s7, s2  }
0x1e: {  	s7 =	smul.u32 @!p0 $0xF7A, s2;
	p2 =	seq.s32 @!p0 s5, $0x0  }
0x1f: {  	s9 =	smul.u32 $0xF7A, s1;
	s8 =	simm.s32 @!p0 $0x1BF5;
	p2 =	por !p2, p0  }
0x20: {  	[sflag:s8] =	ssyncset.s32 @!p0 $0xFFFFF086;
	s6 =	sadd.s32 @!p0 s3, s7;
	s7 =	simm.s32 @!p0 $0x108  }
0x21: {  	s3 =	sadd.s32 s3, s9;
	s6 =	sadd.s32 @!p0 $0x88, s6;
	s7 =	simm.s32 @p2 $0x1082  }
0x22: {  	[simem:s7], [sflag:s8] =	dma.local @!p0 [hbm:s6], $0xF7A  }
0x23: {  	s9 =	sor.u32 $0xD0000000, s2;
	s6 =	simm.s32 $0x108;
	_ =	swait.ge @!p0 [sflag:s8], $0x0  }
0x24: {  	s3 =	sadd.s32 $0x88, s3;
	s6 =	simm.s32 @!p1 $0x1082;
	[sflag:s4] =	ssyncset.s32 $0xFFFFF086  }
0x25: {  	[simem:s6], [sflag:s4] =	dma.local [hbm:s3], $0xF7A  }
0x26: {  	[smem:$0x3F9D] =	sst s1;
	(tag) =	ssettag s2;
	_ =	strace s9  }
0x27: {  	s1 =	sld [smem:$0x3FAD]  }
0x28: {  	s2 =	sld [smem:$0x3FAE]  }
0x29: {  	s4 =	sld [smem:$0x3FB0]  }
0x2a: {  	p0 =	seq.s32 s5, $0x0;
	s5 =	sld [smem:$0x3FB1]  }
0x2b: {  	s6 =	sld [smem:$0x3FB2]  }
0x2c: {  	s7 =	sld [smem:$0x3FB3]  }
0x2d: {  	s3 =	simm.s32 $0x108;
	s8 =	sld [smem:$0x3FB4]  }
0x2e: {  	s3 =	simm.s32 @!p0 $0x1082;
	s9 =	sld [smem:$0x3FB5]  }
0x2f: {  	lr =	sadd.s32 s0, s3;
	s0 =	sld [smem:$0x3FAC]  }
0x30: {  	s3 =	sld [smem:$0x3FAF]  }
0x31: {  	[smem:$0x3FB8] =	sst s10  }
0x32: {  	s10 =	sld [smem:$0x3FB6];
	_ =	sdelay $0x3  }
0x33: {  	p0 =	seq.s32 s10, $0x1;
	s10 =	sld [smem:$0x3FB8];
	_ =	sdelay $0x3  }
0x34: {  	[smem:$0x3FB8] =	sst s10  }
0x35: {  	s10 =	sld [smem:$0x3FB7];
	_ =	sdelay $0x3  }
0x36: {  	p1 =	seq.s32 s10, $0x1;
	s10 =	sld [smem:$0x3FB8];
	_ =	sdelay $0x3  }
0x37: {  	[smem:$0x3FB8] =	sst s10  }
0x38: {  	s10 =	sld [smem:$0x3FB9]  }
0x39: {  	_ = 	snop;
	(pc) =	sbr.ind lr, $3  }
0x3a: {  	_ = 	snop  }
0x3b: {  	_ = 	snop  }
0x3c: {  	p2 =	seq.s32 s10, $0x1;
	s10 =	sld [smem:$0x3FB8]  }
0x3d: {  	_ =	shalt  }
0x3e: {  	_ =	shalt  }
0x3f: {  	_ =	shalt  }
0x40: {  	_ =	shalt  }
0x41: {  	_ =	shalt  }
0x42: {  	_ =	shalt  }
0x43: {  	_ =	shalt  }
0x44: {  	_ =	shalt  }
0x45: {  	_ =	shalt  }
0x46: {  	_ =	shalt  }
0x47: {  	_ =	shalt  }
0x48: {  	_ =	shalt  }
0x49: {  	_ =	shalt  }
0x4a: {  	_ =	shalt  }
0x4b: {  	_ =	shalt  }
0x4c: {  	_ =	shalt  }
0x4d: {  	_ =	shalt  }
0x4e: {  	_ =	shalt  }
0x4f: {  	_ =	shalt  }
0x50: {  	_ =	shalt  }
0x51: {  	_ =	shalt  }
0x52: {  	_ =	shalt  }
0x53: {  	_ =	shalt  }
0x54: {  	_ =	shalt  }
0x55: {  	_ =	shalt  }
0x56: {  	_ =	shalt  }
0x57: {  	_ =	shalt  }
0x58: {  	_ =	shalt  }
0x59: {  	_ =	shalt  }
0x5a: {  	_ =	shalt  }
0x5b: {  	_ =	shalt  }
0x5c: {  	_ =	shalt  }
0x5d: {  	_ =	shalt  }
0x5e: {  	_ =	shalt  }
0x5f: {  	_ =	shalt  }
0x60: {  	_ =	shalt  }
0x61: {  	_ =	shalt  }
0x62: {  	_ =	shalt  }
0x63: {  	_ =	shalt  }
0x64: {  	_ =	shalt  }
0x65: {  	_ =	shalt  }
0x66: {  	_ =	shalt  }
0x67: {  	_ =	shalt  }
0x68: {  	_ =	shalt  }
0x69: {  	_ =	shalt  }
0x6a: {  	_ =	shalt  }
0x6b: {  	_ =	shalt  }
0x6c: {  	_ =	shalt  }
0x6d: {  	_ =	shalt  }
0x6e: {  	_ =	shalt  }
0x6f: {  	_ =	shalt  }
0x70: {  	_ =	shalt  }
0x71: {  	_ =	shalt  }
0x72: {  	_ =	shalt  }
0x73: {  	_ =	shalt  }
0x74: {  	_ =	shalt  }
0x75: {  	_ =	shalt  }
0x76: {  	_ =	shalt  }
0x77: {  	_ =	shalt  }
0x78: {  	_ =	shalt  }
0x79: {  	_ =	shalt  }
0x7a: {  	_ =	shalt  }
0x7b: {  	_ =	shalt  }
0x7c: {  	_ =	shalt  }
0x7d: {  	_ =	shalt  }
0x7e: {  	_ =	shalt  }
0x7f: {  	_ =	shalt  }
0x80: {  	_ =	shalt  }
0x81: {  	_ =	shalt  }
0x82: {  	_ =	shalt  }
0x83: {  	_ =	shalt  }
0x84: {  	_ =	shalt  }
0x85: {  	_ =	shalt  }
0x86: {  	_ =	shalt  }
0x87: {  	_ =	shalt  }
.Lfunc_end0:
.L_simem_size_0:
called_computation.2_lowered:
.L_overlay_start_0:
0x88: {  	s2 =	sld [smem:$0x3FD9]  }
0x89: {  	s3 =	sld [smem:$0x3FFE];
	_ =	sdelay $0x1  }
0x8a: {  	s1 =	srdreg.scid  }
0x8b: {  	s0 =	sand.u32 $0x1, s1  }
0x8c: {  	s17 =	sshll.u32 s0, $0xA;
	s2 =	sadd.s32 s3, s2  }
0x8d: {  	s2 =	sadd.s32 s2, s17  }
0x8e: {  	[smem:$0x3FC4] =	sst s2  }
0x8f: {  	_ = 	snop  }
0x90: {  	s2 =	sld [smem:$0x3FD0];
	(tm) =	ssettm $0x1  }
0x91: {  	s18 =	sld [smem:$0x3FFB];
	_ =	sdelay $0x3  }
0x92: {  	_ =	strace s18  }
0x93: {  	s3 =	sld [smem:$0x3FFC];
	_ =	sdelay $0x3  }
0x94: {  	_ =	strace s3  }
0x95: {  	s3 =	sld [smem:$0x3FFD];
	_ =	sdelay $0x3  }
0x96: {  	_ =	strace s3  }
0x97: {  	_ =	strace $0x8FFFFFFF  }
0x98: {  	s19 =	sld [smem:$0x3FDB];
	_ =	sdelay $0x1  }
0x99: {  	s4 =	simm.s32 $_scs_section_size  }
0x9a: {  	s5 =	simm.s32 $_size__tile_overlayer_lowered;
	s6 =	simm.s32 $_tile_overlayer_lowered  }
0x9b: {  	s22 =	simm.s32 $0x1BFF;
	s21 =	sshll.u32 s6, $0x1;
	s3 =	sadd.s32 s4, s19  }
0x9c: {  	s7 =	simm.s32 $0x0;
	s20 =	sshll.u32 s5, $0x1;
	s5 =	sadd.s32 s21, s3  }
0x9d: {  	[timem:s7], [sflag:s22] =	dma.local [hbm:s5], s20  }
0x9e: {  	_ =	swait.ge [sflag:s22], s20  }
0x9f: {  	s4 =	ssub.s32 $0x0, s20;
	[sflag:s22] =	ssyncset.done $0x0  }
0xa0: {  	[sflag:s22] =	ssyncadd.s32 s4;
	_ =	sdelay $0x1  }
0xa1: {  	s23 =	simm.s32 $0x1B8B  }
0xa2: {  	_ =	swait.ge [sflag:s23], $0x1  }
0xa3: {  	[sflag:s23] =	ssyncset.done $0x0  }
0xa4: {  	s25 =	simm.s32 $0x1B8E;
	s24 =	sld [smem:$0x3FFE];
	[sflag:s23] =	ssyncadd.s32 $0xFFFFFFFF  }
0xa5: {  	s26 =	simm.s32 $execute0_lowered;
	[smem:$0x3FD2] =	sst s25  }
0xa6: {  	s5 =	sshll.u32 s26, $0x1;
	_ =	strace $0x8000004C;
	[dreg:$0x1] =	wrdreg $0xFFFFFFFF  }
0xa7: {  	s28 =	simm.s32 $_size_execute0_lowered;
	s3 =	sadd.s32 s3, s5;
	[dreg:$0x0] =	wrdreg $0x0  }
0xa8: {  	s5 =	sshll.u32 s28, $0x1;
	[dreg:$0x2] =	wrdreg s3  }
0xa9: {  	[dreg:$0x3] =	wrdreg s5  }
0xaa: {  	[dreg:$0x4] =	wrdreg $0xC0  }
0xab: {  	_ =	task [dreg:s7], $0x5FFFF  }
0xac: {  	[dreg:$0x1] =	wrdreg $0xFFFFFFFF  }
0xad: {  	[dreg:$0x0] =	wrdreg $0x60  }
0xae: {  	[dreg:$0x2] =	wrdreg s24  }
0xaf: {  	[dreg:$0x3] =	wrdreg s2  }
0xb0: {  	[dreg:$0x4] =	wrdreg $0x41000  }
0xb1: {  	[dreg:$0x5] =	wrdreg $0x9  }
0xb2: {  	_ =	task.clear_ibuf [dreg:s7], $0x6FFFF;
	_ =	strace $0x9000004C  }
0xb3: {  	s29 =	simm.s32 $0x9;
	_ =	strace $0x8000004E  }
0xb4: {  	_ =	swait.ge [sflag:s29], $0x1  }
0xb5: {  	[sflag:s29] =	ssyncadd.s32 $0xFFFFFFFF  }
0xb6: {  	_ =	strace $0x9000004E  }
0xb7: {  	_ =	sfence  }
0xb8: {  	s30 =	sld [smem:$0x0];
	_ =	sdelay $0x2  }
0xb9: {  	s31 =	sshll.u32 s1, $0xD;
	s1 =	sshrl.u32 s1, $0x2  }
0xba: {  	s3 =	sand.u32 $0x4000, s31;
	s1 =	sadd.s32 s1, s30  }
0xbb: {  	s0 =	sor.u32 s3, s0;
	s1 =	sshll.u32 s1, $0x11  }
0xbc: {  	s0 =	sor.u32 s1, s0  }
0xbd: {  	s0 =	sadd.s32 $0x8F2B, s0  }
0xbe: {  	[sflag:s0] =	ssyncadd.remote.s32 $0x1  }
0xbf: {  	_ =	sfence.sel $0xFFFF  }
0xc0: {  	[dreg:$0x0] =	wrdreg $0xFFFFFFFF;
	(pc) =	sbr.abs _section_cstart, $3  }
0xc1: {  	[dreg:$0x1] =	wrdreg $0xFFFFFFFF  }
0xc2: {  	_ =	task.clear_ibuf [dreg:s7], $0x2FFFF;
	_ =	strace $0x9FFFFFFF  }
0xc3: {  	(tm) =	ssettm $0x7FFFFFFF  }
tec
execute0_lowered:
.L_overlay_start_1:
0x0: {  	(tag) =	ssettag $0x1  }
0x1: {  	s5 =	rddreg [dreg:$0x0]  }
0x2: {  	s7 =	rddreg [dreg:$0x1]  }
0x3: {  	s1 =	rddreg [dreg:$0x2];
	s3 =	srdreg.scid  }
0x4: {  	s0 =	rddreg [dreg:$0x3];
	s2 =	simm.s32 $0x0;
	s6 =	sand.u32 $0x1, s3  }
0x5: {  	s14 =	simm.s32 $0x100;
	s3 =	stileid.u32;
	s8 =	smul.u32 $0x5000, s6  }
0x6: {  	s15 =	simm.s32 $0x1;
	s16 =	simm.s32 $0x0;
	s9 =	smul.u32 $0x14000, s3  }
0x7: {  	[smem:$0x7FF] =	sst s2;
	s4 =	sadd.s32 $0x3EA00, s5;
	s11 =	smul.u32 $0x50000, s3  }
0x8: {  	_ =	strace $0x8000004D;
	s10 =	ssub.s32 $0x2, s6;
	s6 =	smul.u32 $0x140000, s6  }
0x9: {  	s28 =	smul.u32 $0x500, s3;
	s29 =	sshll.u32 s3, $0x6;
	s13 =	sshrl.u32 s10, $0x1  }
0xa: {  	s8 =	sadd.s32 s8, s5;
	s12 =	sshrl.u32 s9, $0x3;
	s10 =	ssub.s32 s10, s13  }
0xb: {  	s11 =	sshrl.u32 s11, $0x2;
	s6 =	sadd.s32 s9, s6;
	s13 =	simm.s32 $0x80  }
0xc: {  	s5 =	sadd.s32 s12, s5;
	s11 =	sadd.s32 s11, s1;
	s30 =	sshrl.u32 s6, $0x3  }
0xd: {  	s6 =	sor.u32 $0x1C02, s29;
	s31 =	sadd.s32 s28, s8;
	s8 =	smax.u32 s10, $0x1  }
0xe: {  	s12 =	simm.s32 $0x2;
	s5 =	sadd.s32 $0x16A00, s5;
	s7 =	sadd.s32 s7, s30  }
0xf: {  	s9 =	sadd.s32 $0x2200, s31;
	s10 =	sadd.s32 $0xC200, s31;
	s11 =	sshrl.u32 s11, $0x3  }
.LBB2_1:
0x10: {  	[spmem:s11], [sflag:s6] =	dma.local [hbm:s5], $0x2800  }
0x11: {  	_ =	swait.ge [sflag:s12], $0x2800  }
0x12: {  	[sflag:s12] =	ssyncset.done $0x0  }
0x13: {  	[sflag:s12] =	ssyncadd.s32 $0xFFFFD800  }
0x14: {  	s17 =	sadd.s32 $0x0, s10;
	[bflag:$0x0] =	sbarrier.arrive $0xFFFF  }
0x15: {  	[tilespmem:s2], [sflag:$0x2] =	stream.linear.gather [hbm4b:s17+s2], $0x80, $0x38;
	[tilespmem:$0x18100] =	vst v63  }
0x16: {  	_ =	swait.ge [sflag:s12], $0x80  }
0x17: {  	[sflag:s12] =	ssyncset.done $0x0  }
0x18: {  	s31 =	sadd.s32 $0x0, s9;
	[sflag:s12] =	ssyncadd.s32 $0xFFFFFF80  }
0x19: {  	[tilespmem:s13], [sflag:$0x2] =	stream.linear.gather [hbm4b:s31+s2], $0x80, $0x38;
	[tilespmem:$0x18100] =	vst v63  }
0x1a: {  	_ =	swait.ge [sflag:s12], $0x80  }
0x1b: {  	[sflag:s12] =	ssyncset.done $0x0  }
0x1c: {  	[sflag:s12] =	ssyncadd.s32 $0xFFFFFF80  }
0x1d: {  	[tilespmem:s14], [sflag:$0x1] =	stream.indirect.gather [hbm4b:s4+s13], $0x80, s2, s13, $0xb8;
	[tilespmem:$0x18100] =	vst v63  }
0x1e: {  	_ =	swait.ge [sflag:s15], $0x4000  }
0x1f: {  	[sflag:s15] =	ssyncset.done $0x0  }
0x20: {  	[sflag:s15] =	ssyncadd.s32 $0xFFFFC000  }
0x21: {  	[spmem:s1] =	stream.indirect.scatter.add.f32 [tilespmem:s14], [sflag:$0x2], $0x80, s13, s13, $0xb8;
	[tilespmem:$0x18100] =	vst v63  }
0x22: {  	_ =	swait.ge [sflag:s12], $0x4000  }
0x23: {  	s18 =	simm.s32 $0x20;
	s17 =	simm.s32 $0x10;
	[sflag:s12] =	ssyncset.done $0x0  }
.LBB2_2:
0x24: {  	s19 =	sadd.s32 s17, s10  }
0x25: {  	[sflag:s12] =	ssyncadd.s32 $0xFFFFC000;
	s20 =	smov.u32 s18;
	s21 =	sadd.s32 $0x10, s18  }
0x26: {  	[tilespmem:s2], [sflag:$0x2] =	stream.linear.gather [hbm4b:s19+s2], $0x80, $0x38;
	[tilespmem:$0x18100] =	vst v63  }
0x27: {  	p0 =	sne.s32 s18, $0x4F0;
	_ =	swait.ge [sflag:s12], $0x80  }
0x28: {  	[sflag:s12] =	ssyncset.done $0x0  }
0x29: {  	s18 =	sadd.s32 s17, s9;
	s17 =	smov.u32 s20;
	[sflag:s12] =	ssyncadd.s32 $0xFFFFFF80  }
0x2a: {  	[tilespmem:s13], [sflag:$0x2] =	stream.linear.gather [hbm4b:s18+s2], $0x80, $0x38;
	[tilespmem:$0x18100] =	vst v63  }
0x2b: {  	_ =	swait.ge [sflag:s12], $0x80  }
0x2c: {  	[sflag:s12] =	ssyncset.done $0x0  }
0x2d: {  	[sflag:s12] =	ssyncadd.s32 $0xFFFFFF80  }
0x2e: {  	[tilespmem:s14], [sflag:$0x1] =	stream.indirect.gather [hbm4b:s4+s13], $0x80, s2, s13, $0xb8;
	[tilespmem:$0x18100] =	vst v63  }
0x2f: {  	_ =	swait.ge [sflag:s15], $0x4000  }
.Ltmp0:
0x30: {  	[sflag:s15] =	ssyncset.done $0x0;
	(pc) =	sbr.rel @p0 .LBB2_2-.Ltmp0, $4  }
0x31: {  	[sflag:s15] =	ssyncadd.s32 $0xFFFFC000  }
0x32: {  	[spmem:s1] =	stream.indirect.scatter.add.f32 [tilespmem:s14], [sflag:$0x2], $0x80, s13, s13, $0xb8;
	[tilespmem:$0x18100] =	vst v63  }
0x33: {  	_ =	swait.ge [sflag:s12], $0x4000  }
0x34: {  	s18 =	smov.u32 s21;
	[sflag:s12] =	ssyncset.done $0x0  }
0x35: {  	s18 =	sadd.s32 s17, s10;
	[sflag:s12] =	ssyncadd.s32 $0xFFFFC000  }
0x36: {  	[tilespmem:s2], [sflag:$0x2] =	stream.linear.gather [hbm4b:s18+s2], $0x80, $0x38;
	[tilespmem:$0x18100] =	vst v63  }
0x37: {  	_ =	swait.ge [sflag:s12], $0x80  }
0x38: {  	[sflag:s12] =	ssyncset.done $0x0  }
0x39: {  	s31 =	sadd.s32 s17, s9;
	[sflag:s12] =	ssyncadd.s32 $0xFFFFFF80  }
0x3a: {  	[tilespmem:s13], [sflag:$0x2] =	stream.linear.gather [hbm4b:s31+s2], $0x80, $0x38;
	[tilespmem:$0x18100] =	vst v63  }
0x3b: {  	_ =	swait.ge [sflag:s12], $0x80  }
0x3c: {  	[sflag:s12] =	ssyncset.done $0x0  }
0x3d: {  	[sflag:s12] =	ssyncadd.s32 $0xFFFFFF80  }
0x3e: {  	[tilespmem:s14], [sflag:$0x1] =	stream.indirect.gather [hbm4b:s4+s13], $0x80, s2, s13, $0xb8;
	[tilespmem:$0x18100] =	vst v63  }
0x3f: {  	_ =	swait.ge [sflag:s15], $0x4000  }
0x40: {  	[sflag:s15] =	ssyncset.done $0x0  }
0x41: {  	[sflag:s15] =	ssyncadd.s32 $0xFFFFC000  }
0x42: {  	[spmem:s1] =	stream.indirect.scatter.add.f32 [tilespmem:s14], [sflag:$0x2], $0x80, s13, s13, $0xb8;
	[tilespmem:$0x18100] =	vst v63  }
0x43: {  	_ =	swait.ge [sflag:s12], $0x4000  }
0x44: {  	s16 =	sadd.s32 $0x1, s16;
	[sflag:s12] =	ssyncset.done $0x0  }
0x45: {  	p0 =	sne.s32 s16, s8;
	[sflag:s12] =	ssyncadd.s32 $0xFFFFC000  }
.Ltmp1:
0x46: {  	[bflag:$0x0] =	sbarrier.arrive $0xFFFF;
	(pc) =	sbr.rel @p0 .LBB2_1-.Ltmp1, $4  }
0x47: {  	[hbm:s7], [sflag:s6] =	dma.local [spmem:s11], $0x2800  }
0x48: {  	_ =	swait.ge [sflag:s12], $0x2800  }
0x49: {  	[sflag:s12] =	ssyncset.done $0x0  }
0x4a: {  	[sflag:s12] =	ssyncadd.s32 $0xFFFFD800  }
0x4b: {  	_ =	sfence.sel $0x180000  }
0x4c: {  	[bflag:$0x0] =	sbarrier.arrive $0xFFFF  }
0x4d: {  	p0 =	sne.s32 s3, $0x0;
	_ =	strace $0x9000004D  }
0x4e: {  	s0 =	sadd.s32 @!p0 $0x100000, s0;
	[bflag:$0x2] =	sbarrier.arrive $0xFFFF  }
0x4f: {  	[sflag:s0] =	ssyncadd.tile.s32 @!p0 $0x1;
	_ =	shalt  }
.Lfunc_end2:
_tile_overlayer_lowered:
.L_overlay_start_2:
0x50: {  	(tag) =	ssettag $0x2  }
0x51: {  	s0 =	rddreg [dreg:$0x0];
	s2 =	stileid.u32  }
0x52: {  	s1 =	rddreg [dreg:$0x1];
	p0 =	sne.s32 s2, $0x0  }
0x53: {  	s3 =	rddreg [dreg:$0x2];
	[bflag:$0x3] =	sbarrier.arrive $0xFFFF;
	s2 =	simm.s32 @!p0 $0x1C02  }
0x54: {  	[timem:s3], [sflag:s2] =	dma.local @!p0 [hbm:s0], s1  }
0x55: {  	s0 =	simm.s32 @!p0 $0x2  }
0x56: {  	_ =	swait.ge @!p0 [sflag:s0], s1  }
0x57: {  	s1 =	ssub.s32 @!p0 $0x0, s1;
	[sflag:s0] =	ssyncset.done @!p0 $0x0  }
0x58: {  	[sflag:s0] =	ssyncadd.s32 @!p0 s1  }
0x59: {  	[bflag:$0x3] =	sbarrier.arrive $0xFFFF  }
0x5a: {  	_ =	shalt  }

// kernel: kernel.19.cloned.1.call-start
scs
__scs_entry_jumppad:
0x0: {  	(pc) =	sbr.rel $0x88, $3  }
0x1: {  	(tag) =	ssettag $0x0;
	lr =	simm.s32 $0x1  }
0x2: {  	[smem:$0x3F9D] =	sst lr;
	_ =	strace $0xD0000000  }
0x3: {  	_ = 	snop  }
0x4: {  	_ = 	snop  }
0x5: {  	_ = 	snop  }
0x6: {  	_ = 	snop  }
0x7: {  	_ = 	snop  }
__scs_overlays_trampoline_lowered:
0x8: {  	[smem:$0x3FAC] =	sst s0  }
0x9: {  	[smem:$0x3FAD] =	sst s1  }
0xa: {  	[smem:$0x3FAE] =	sst s2  }
0xb: {  	[smem:$0x3FAF] =	sst s3  }
0xc: {  	[smem:$0x3FB0] =	sst s4  }
0xd: {  	[smem:$0x3FB1] =	sst s5  }
0xe: {  	[smem:$0x3FB2] =	sst s6  }
0xf: {  	[smem:$0x3FB3] =	sst s7  }
0x10: {  	[smem:$0x3FB4] =	sst s8  }
0x11: {  	[smem:$0x3FB5] =	sst s9;
	s0 =	simm.s32 @!p0 $0x0  }
0x12: {  	s1 =	sld [smem:$0x3F9B];
	s0 =	simm.s32 @p0 $0x1  }
0x13: {  	[smem:$0x3FB6] =	sst s0;
	s0 =	simm.s32 @!p1 $0x0  }
0x14: {  	s2 =	sld [smem:$0x3F9A];
	s0 =	simm.s32 @p1 $0x1  }
0x15: {  	[smem:$0x3FB7] =	sst s0;
	s0 =	simm.s32 @!p2 $0x0  }
0x16: {  	s3 =	sld [smem:$0x3FDB];
	s0 =	simm.s32 @p2 $0x1  }
0x17: {  	s4 =	simm.s32 $0x1BF5;
	[smem:$0x3FB9] =	sst s0  }
0x18: {  	s0 =	sld [smem:$0x3F9C];
	_ =	swait.ge [sflag:s4], $0x0  }
0x19: {  	s7 =	sld [smem:$0x3F9D]  }
0x1a: {  	s8 =	sadd.s32 $0xFFFFE003, lr  }
0x1b: {  	s9 =	sadd.s32 $0xFFFFFEF7, lr;
	s5 =	simm.s32 $0xFFFFFFFF;
	p2 =	slt.u32 s8, $0xFFFFF086  }
0x1c: {  	p1 =	slt.u32 s9, $0xF7A;
	s5 =	simm.s32 @!p2 $0x0  }
0x1d: {  	s5 =	simm.s32 @p1 $0x1;
	p0 =	seq.s32 s7, s2  }
0x1e: {  	s7 =	smul.u32 @!p0 $0xF7A, s2;
	p2 =	seq.s32 @!p0 s5, $0x0  }
0x1f: {  	s9 =	smul.u32 $0xF7A, s1;
	s8 =	simm.s32 @!p0 $0x1BF5;
	p2 =	por !p2, p0  }
0x20: {  	[sflag:s8] =	ssyncset.s32 @!p0 $0xFFFFF086;
	s6 =	sadd.s32 @!p0 s3, s7;
	s7 =	simm.s32 @!p0 $0x108  }
0x21: {  	s3 =	sadd.s32 s3, s9;
	s6 =	sadd.s32 @!p0 $0x88, s6;
	s7 =	simm.s32 @p2 $0x1082  }
0x22: {  	[simem:s7], [sflag:s8] =	dma.local @!p0 [hbm:s6], $0xF7A  }
0x23: {  	s9 =	sor.u32 $0xD0000000, s2;
	s6 =	simm.s32 $0x108;
	_ =	swait.ge @!p0 [sflag:s8], $0x0  }
0x24: {  	s3 =	sadd.s32 $0x88, s3;
	s6 =	simm.s32 @!p1 $0x1082;
	[sflag:s4] =	ssyncset.s32 $0xFFFFF086  }
0x25: {  	[simem:s6], [sflag:s4] =	dma.local [hbm:s3], $0xF7A  }
0x26: {  	[smem:$0x3F9D] =	sst s1;
	(tag) =	ssettag s2;
	_ =	strace s9  }
0x27: {  	s1 =	sld [smem:$0x3FAD]  }
0x28: {  	s2 =	sld [smem:$0x3FAE]  }
0x29: {  	s4 =	sld [smem:$0x3FB0]  }
0x2a: {  	p0 =	seq.s32 s5, $0x0;
	s5 =	sld [smem:$0x3FB1]  }
0x2b: {  	s6 =	sld [smem:$0x3FB2]  }
0x2c: {  	s7 =	sld [smem:$0x3FB3]  }
0x2d: {  	s3 =	simm.s32 $0x108;
	s8 =	sld [smem:$0x3FB4]  }
0x2e: {  	s3 =	simm.s32 @!p0 $0x1082;
	s9 =	sld [smem:$0x3FB5]  }
0x2f: {  	lr =	sadd.s32 s0, s3;
	s0 =	sld [smem:$0x3FAC]  }
0x30: {  	s3 =	sld [smem:$0x3FAF]  }
0x31: {  	[smem:$0x3FB8] =	sst s10  }
0x32: {  	s10 =	sld [smem:$0x3FB6];
	_ =	sdelay $0x3  }
0x33: {  	p0 =	seq.s32 s10, $0x1;
	s10 =	sld [smem:$0x3FB8];
	_ =	sdelay $0x3  }
0x34: {  	[smem:$0x3FB8] =	sst s10  }
0x35: {  	s10 =	sld [smem:$0x3FB7];
	_ =	sdelay $0x3  }
0x36: {  	p1 =	seq.s32 s10, $0x1;
	s10 =	sld [smem:$0x3FB8];
	_ =	sdelay $0x3  }
0x37: {  	[smem:$0x3FB8] =	sst s10  }
0x38: {  	s10 =	sld [smem:$0x3FB9]  }
0x39: {  	_ = 	snop;
	(pc) =	sbr.ind lr, $3  }
0x3a: {  	_ = 	snop  }
0x3b: {  	_ = 	snop  }
0x3c: {  	p2 =	seq.s32 s10, $0x1;
	s10 =	sld [smem:$0x3FB8]  }
0x3d: {  	_ =	shalt  }
0x3e: {  	_ =	shalt  }
0x3f: {  	_ =	shalt  }
0x40: {  	_ =	shalt  }
0x41: {  	_ =	shalt  }
0x42: {  	_ =	shalt  }
0x43: {  	_ =	shalt  }
0x44: {  	_ =	shalt  }
0x45: {  	_ =	shalt  }
0x46: {  	_ =	shalt  }
0x47: {  	_ =	shalt  }
0x48: {  	_ =	shalt  }
0x49: {  	_ =	shalt  }
0x4a: {  	_ =	shalt  }
0x4b: {  	_ =	shalt  }
0x4c: {  	_ =	shalt  }
0x4d: {  	_ =	shalt  }
0x4e: {  	_ =	shalt  }
0x4f: {  	_ =	shalt  }
0x50: {  	_ =	shalt  }
0x51: {  	_ =	shalt  }
0x52: {  	_ =	shalt  }
0x53: {  	_ =	shalt  }
0x54: {  	_ =	shalt  }
0x55: {  	_ =	shalt  }
0x56: {  	_ =	shalt  }
0x57: {  	_ =	shalt  }
0x58: {  	_ =	shalt  }
0x59: {  	_ =	shalt  }
0x5a: {  	_ =	shalt  }
0x5b: {  	_ =	shalt  }
0x5c: {  	_ =	shalt  }
0x5d: {  	_ =	shalt  }
0x5e: {  	_ =	shalt  }
0x5f: {  	_ =	shalt  }
0x60: {  	_ =	shalt  }
0x61: {  	_ =	shalt  }
0x62: {  	_ =	shalt  }
0x63: {  	_ =	shalt  }
0x64: {  	_ =	shalt  }
0x65: {  	_ =	shalt  }
0x66: {  	_ =	shalt  }
0x67: {  	_ =	shalt  }
0x68: {  	_ =	shalt  }
0x69: {  	_ =	shalt  }
0x6a: {  	_ =	shalt  }
0x6b: {  	_ =	shalt  }
0x6c: {  	_ =	shalt  }
0x6d: {  	_ =	shalt  }
0x6e: {  	_ =	shalt  }
0x6f: {  	_ =	shalt  }
0x70: {  	_ =	shalt  }
0x71: {  	_ =	shalt  }
0x72: {  	_ =	shalt  }
0x73: {  	_ =	shalt  }
0x74: {  	_ =	shalt  }
0x75: {  	_ =	shalt  }
0x76: {  	_ =	shalt  }
0x77: {  	_ =	shalt  }
0x78: {  	_ =	shalt  }
0x79: {  	_ =	shalt  }
0x7a: {  	_ =	shalt  }
0x7b: {  	_ =	shalt  }
0x7c: {  	_ =	shalt  }
0x7d: {  	_ =	shalt  }
0x7e: {  	_ =	shalt  }
0x7f: {  	_ =	shalt  }
0x80: {  	_ =	shalt  }
0x81: {  	_ =	shalt  }
0x82: {  	_ =	shalt  }
0x83: {  	_ =	shalt  }
0x84: {  	_ =	shalt  }
0x85: {  	_ =	shalt  }
0x86: {  	_ =	shalt  }
0x87: {  	_ =	shalt  }
.Lfunc_end0:
.L_simem_size_0:
called_computation.3_lowered:
.L_overlay_start_0:
0x88: {  	s2 =	sld [smem:$0x3FD9]  }
0x89: {  	s3 =	sld [smem:$0x3FFE];
	_ =	sdelay $0x1  }
0x8a: {  	s1 =	srdreg.scid  }
0x8b: {  	s0 =	sand.u32 $0x1, s1  }
0x8c: {  	s17 =	sshll.u32 s0, $0xA;
	s2 =	sadd.s32 s3, s2  }
0x8d: {  	s2 =	sadd.s32 s2, s17  }
0x8e: {  	[smem:$0x3FC4] =	sst s2  }
0x8f: {  	_ = 	snop  }
0x90: {  	s2 =	sld [smem:$0x3FD0];
	(tm) =	ssettm $0x1  }
0x91: {  	s18 =	sld [smem:$0x3FFB];
	_ =	sdelay $0x3  }
0x92: {  	_ =	strace s18  }
0x93: {  	s3 =	sld [smem:$0x3FFC];
	_ =	sdelay $0x3  }
0x94: {  	_ =	strace s3  }
0x95: {  	s3 =	sld [smem:$0x3FFD];
	_ =	sdelay $0x3  }
0x96: {  	_ =	strace s3  }
0x97: {  	_ =	strace $0x8FFFFFFF  }
0x98: {  	s19 =	sld [smem:$0x3FDB];
	_ =	sdelay $0x1  }
0x99: {  	s4 =	simm.s32 $_scs_section_size  }
0x9a: {  	s5 =	simm.s32 $_size__tile_overlayer_lowered;
	s6 =	simm.s32 $_tile_overlayer_lowered  }
0x9b: {  	s22 =	simm.s32 $0x1BFF;
	s21 =	sshll.u32 s6, $0x1;
	s3 =	sadd.s32 s4, s19  }
0x9c: {  	s7 =	simm.s32 $0x0;
	s20 =	sshll.u32 s5, $0x1;
	s5 =	sadd.s32 s21, s3  }
0x9d: {  	[timem:s7], [sflag:s22] =	dma.local [hbm:s5], s20  }
0x9e: {  	_ =	swait.ge [sflag:s22], s20  }
0x9f: {  	s4 =	ssub.s32 $0x0, s20;
	[sflag:s22] =	ssyncset.done $0x0  }
0xa0: {  	[sflag:s22] =	ssyncadd.s32 s4;
	_ =	sdelay $0x1  }
0xa1: {  	s23 =	simm.s32 $0x1B8B  }
0xa2: {  	_ =	swait.ge [sflag:s23], $0x1  }
0xa3: {  	[sflag:s23] =	ssyncset.done $0x0  }
0xa4: {  	s25 =	simm.s32 $0x1B8E;
	s24 =	sld [smem:$0x3FFE];
	[sflag:s23] =	ssyncadd.s32 $0xFFFFFFFF  }
0xa5: {  	s26 =	simm.s32 $execute0_lowered;
	[smem:$0x3FD2] =	sst s25  }
0xa6: {  	s5 =	sshll.u32 s26, $0x1;
	_ =	strace $0x8000004F;
	[dreg:$0x1] =	wrdreg $0xFFFFFFFF  }
0xa7: {  	s28 =	simm.s32 $_size_execute0_lowered;
	s3 =	sadd.s32 s3, s5;
	[dreg:$0x0] =	wrdreg $0x0  }
0xa8: {  	s5 =	sshll.u32 s28, $0x1;
	[dreg:$0x2] =	wrdreg s3  }
0xa9: {  	[dreg:$0x3] =	wrdreg s5  }
0xaa: {  	[dreg:$0x4] =	wrdreg $0xC0  }
0xab: {  	_ =	task [dreg:s7], $0x5FFFF  }
0xac: {  	[dreg:$0x1] =	wrdreg $0xFFFFFFFF  }
0xad: {  	[dreg:$0x0] =	wrdreg $0x60  }
0xae: {  	[dreg:$0x2] =	wrdreg s2  }
0xaf: {  	[dreg:$0x3] =	wrdreg s24  }
0xb0: {  	[dreg:$0x4] =	wrdreg $0x41000  }
0xb1: {  	[dreg:$0x5] =	wrdreg $0x9  }
0xb2: {  	_ =	task.clear_ibuf [dreg:s7], $0x6FFFF;
	_ =	strace $0x9000004F  }
0xb3: {  	s29 =	simm.s32 $0x9;
	_ =	strace $0x80000051  }
0xb4: {  	_ =	swait.ge [sflag:s29], $0x1  }
0xb5: {  	[sflag:s29] =	ssyncadd.s32 $0xFFFFFFFF  }
0xb6: {  	_ =	strace $0x90000051  }
0xb7: {  	_ =	sfence  }
0xb8: {  	s30 =	sld [smem:$0x0];
	_ =	sdelay $0x2  }
0xb9: {  	s31 =	sshll.u32 s1, $0xD;
	s1 =	sshrl.u32 s1, $0x2  }
0xba: {  	s3 =	sand.u32 $0x4000, s31;
	s1 =	sadd.s32 s1, s30  }
0xbb: {  	s0 =	sor.u32 s3, s0;
	s1 =	sshll.u32 s1, $0x11  }
0xbc: {  	s0 =	sor.u32 s1, s0  }
0xbd: {  	s0 =	sadd.s32 $0x8F2B, s0  }
0xbe: {  	[sflag:s0] =	ssyncadd.remote.s32 $0x1  }
0xbf: {  	_ =	sfence.sel $0xFFFF  }
0xc0: {  	[dreg:$0x0] =	wrdreg $0xFFFFFFFF;
	(pc) =	sbr.abs _section_cstart, $3  }
0xc1: {  	[dreg:$0x1] =	wrdreg $0xFFFFFFFF  }
0xc2: {  	_ =	task.clear_ibuf [dreg:s7], $0x2FFFF;
	_ =	strace $0x9FFFFFFF  }
0xc3: {  	(tm) =	ssettm $0x7FFFFFFF  }
tec
execute0_lowered:
.L_overlay_start_1:
0x0: {  	(tag) =	ssettag $0x1  }
0x1: {  	s0 =	rddreg [dreg:$0x0]  }
0x2: {  	s5 =	rddreg [dreg:$0x1]  }
0x3: {  	s1 =	srdreg.scid;
	s2 =	stileid.u32  }
0x4: {  	s3 =	rddreg [dreg:$0x2];
	s4 =	simm.s32 $0x0;
	s8 =	smul.u32 $0x14000, s2  }
0x5: {  	s13 =	simm.s32 $0x80;
	s14 =	simm.s32 $0x100;
	s26 =	smul.u32 $0x50000, s2  }
0x6: {  	s15 =	simm.s32 $0x1;
	s6 =	sand.u32 $0x1, s1;
	s30 =	smul.u32 $0x500, s2  }
0x7: {  	s16 =	simm.s32 $0x0;
	s1 =	rddreg [dreg:$0x3];
	s7 =	smul.u32 $0x5000, s6  }
0x8: {  	[smem:$0x7FF] =	sst s4;
	s31 =	sshll.u32 s2, $0x6;
	s9 =	smul.u32 $0x140000, s6  }
0x9: {  	_ =	strace $0x80000050;
	s6 =	ssub.s32 $0x2, s6;
	s25 =	sshrl.u32 s8, $0x3  }
0xa: {  	s28 =	sshrl.u32 s6, $0x1;
	s29 =	sshrl.u32 s26, $0x2;
	s10 =	sadd.s32 s7, s5  }
0xb: {  	s8 =	sadd.s32 s8, s9;
	s7 =	sadd.s32 s25, s5;
	s11 =	ssub.s32 s6, s28  }
0xc: {  	s12 =	sadd.s32 s29, s3;
	s6 =	sor.u32 $0x1C02, s31;
	s8 =	sshrl.u32 s8, $0x3  }
0xd: {  	s10 =	sadd.s32 s30, s10;
	s8 =	sadd.s32 s8, s5;
	s5 =	sadd.s32 $0x16A00, s7  }
0xe: {  	s9 =	sadd.s32 $0x2200, s10;
	s10 =	sadd.s32 $0xC200, s10;
	s7 =	sadd.s32 $0x3EA00, s8  }
0xf: {  	s8 =	smax.u32 s11, $0x1;
	s11 =	sshrl.u32 s12, $0x3;
	s12 =	simm.s32 $0x2  }
.LBB2_1:
0x10: {  	[spmem:s11], [sflag:s6] =	dma.local [hbm:s5], $0x2800  }
0x11: {  	_ =	swait.ge [sflag:s12], $0x2800  }
0x12: {  	[sflag:s12] =	ssyncset.done $0x0  }
0x13: {  	[sflag:s12] =	ssyncadd.s32 $0xFFFFD800  }
0x14: {  	s17 =	sadd.s32 $0x0, s10;
	[bflag:$0x0] =	sbarrier.arrive $0xFFFF  }
0x15: {  	[tilespmem:s4], [sflag:$0x2] =	stream.linear.gather [hbm4b:s17+s4], $0x80, $0x38;
	[tilespmem:$0x18100] =	vst v63  }
0x16: {  	_ =	swait.ge [sflag:s12], $0x80  }
0x17: {  	[sflag:s12] =	ssyncset.done $0x0  }
0x18: {  	s31 =	sadd.s32 $0x0, s9;
	[sflag:s12] =	ssyncadd.s32 $0xFFFFFF80  }
0x19: {  	[tilespmem:s13], [sflag:$0x2] =	stream.linear.gather [hbm4b:s31+s4], $0x80, $0x38;
	[tilespmem:$0x18100] =	vst v63  }
0x1a: {  	_ =	swait.ge [sflag:s12], $0x80  }
0x1b: {  	[sflag:s12] =	ssyncset.done $0x0  }
0x1c: {  	[sflag:s12] =	ssyncadd.s32 $0xFFFFFF80  }
0x1d: {  	[tilespmem:s14], [sflag:$0x1] =	stream.indirect.gather [hbm4b:s0+s13], $0x80, s4, s13, $0xb8;
	[tilespmem:$0x18100] =	vst v63  }
0x1e: {  	_ =	swait.ge [sflag:s15], $0x4000  }
0x1f: {  	[sflag:s15] =	ssyncset.done $0x0  }
0x20: {  	[sflag:s15] =	ssyncadd.s32 $0xFFFFC000  }
0x21: {  	[spmem:s3] =	stream.indirect.scatter.add.f32 [tilespmem:s14], [sflag:$0x2], $0x80, s13, s13, $0xb8;
	[tilespmem:$0x18100] =	vst v63  }
0x22: {  	_ =	swait.ge [sflag:s12], $0x4000  }
0x23: {  	s18 =	simm.s32 $0x20;
	s17 =	simm.s32 $0x10;
	[sflag:s12] =	ssyncset.done $0x0  }
.LBB2_2:
0x24: {  	s19 =	sadd.s32 s17, s10  }
0x25: {  	[sflag:s12] =	ssyncadd.s32 $0xFFFFC000;
	s20 =	smov.u32 s18;
	s21 =	sadd.s32 $0x10, s18  }
0x26: {  	[tilespmem:s4], [sflag:$0x2] =	stream.linear.gather [hbm4b:s19+s4], $0x80, $0x38;
	[tilespmem:$0x18100] =	vst v63  }
0x27: {  	p0 =	sne.s32 s18, $0x4F0;
	_ =	swait.ge [sflag:s12], $0x80  }
0x28: {  	[sflag:s12] =	ssyncset.done $0x0  }
0x29: {  	s18 =	sadd.s32 s17, s9;
	s17 =	smov.u32 s20;
	[sflag:s12] =	ssyncadd.s32 $0xFFFFFF80  }
0x2a: {  	[tilespmem:s13], [sflag:$0x2] =	stream.linear.gather [hbm4b:s18+s4], $0x80, $0x38;
	[tilespmem:$0x18100] =	vst v63  }
0x2b: {  	_ =	swait.ge [sflag:s12], $0x80  }
0x2c: {  	[sflag:s12] =	ssyncset.done $0x0  }
0x2d: {  	[sflag:s12] =	ssyncadd.s32 $0xFFFFFF80  }
0x2e: {  	[tilespmem:s14], [sflag:$0x1] =	stream.indirect.gather [hbm4b:s0+s13], $0x80, s4, s13, $0xb8;
	[tilespmem:$0x18100] =	vst v63  }
0x2f: {  	_ =	swait.ge [sflag:s15], $0x4000  }
.Ltmp0:
0x30: {  	[sflag:s15] =	ssyncset.done $0x0;
	(pc) =	sbr.rel @p0 .LBB2_2-.Ltmp0, $4  }
0x31: {  	[sflag:s15] =	ssyncadd.s32 $0xFFFFC000  }
0x32: {  	[spmem:s3] =	stream.indirect.scatter.add.f32 [tilespmem:s14], [sflag:$0x2], $0x80, s13, s13, $0xb8;
	[tilespmem:$0x18100] =	vst v63  }
0x33: {  	_ =	swait.ge [sflag:s12], $0x4000  }
0x34: {  	s18 =	smov.u32 s21;
	[sflag:s12] =	ssyncset.done $0x0  }
0x35: {  	s18 =	sadd.s32 s17, s10;
	[sflag:s12] =	ssyncadd.s32 $0xFFFFC000  }
0x36: {  	[tilespmem:s4], [sflag:$0x2] =	stream.linear.gather [hbm4b:s18+s4], $0x80, $0x38;
	[tilespmem:$0x18100] =	vst v63  }
0x37: {  	_ =	swait.ge [sflag:s12], $0x80  }
0x38: {  	[sflag:s12] =	ssyncset.done $0x0  }
0x39: {  	s31 =	sadd.s32 s17, s9;
	[sflag:s12] =	ssyncadd.s32 $0xFFFFFF80  }
0x3a: {  	[tilespmem:s13], [sflag:$0x2] =	stream.linear.gather [hbm4b:s31+s4], $0x80, $0x38;
	[tilespmem:$0x18100] =	vst v63  }
0x3b: {  	_ =	swait.ge [sflag:s12], $0x80  }
0x3c: {  	[sflag:s12] =	ssyncset.done $0x0  }
0x3d: {  	[sflag:s12] =	ssyncadd.s32 $0xFFFFFF80  }
0x3e: {  	[tilespmem:s14], [sflag:$0x1] =	stream.indirect.gather [hbm4b:s0+s13], $0x80, s4, s13, $0xb8;
	[tilespmem:$0x18100] =	vst v63  }
0x3f: {  	_ =	swait.ge [sflag:s15], $0x4000  }
0x40: {  	[sflag:s15] =	ssyncset.done $0x0  }
0x41: {  	[sflag:s15] =	ssyncadd.s32 $0xFFFFC000  }
0x42: {  	[spmem:s3] =	stream.indirect.scatter.add.f32 [tilespmem:s14], [sflag:$0x2], $0x80, s13, s13, $0xb8;
	[tilespmem:$0x18100] =	vst v63  }
0x43: {  	_ =	swait.ge [sflag:s12], $0x4000  }
0x44: {  	s16 =	sadd.s32 $0x1, s16;
	[sflag:s12] =	ssyncset.done $0x0  }
0x45: {  	p0 =	sne.s32 s16, s8;
	[sflag:s12] =	ssyncadd.s32 $0xFFFFC000  }
.Ltmp1:
0x46: {  	[bflag:$0x0] =	sbarrier.arrive $0xFFFF;
	(pc) =	sbr.rel @p0 .LBB2_1-.Ltmp1, $4  }
0x47: {  	[hbm:s7], [sflag:s6] =	dma.local [spmem:s11], $0x2800  }
0x48: {  	_ =	swait.ge [sflag:s12], $0x2800  }
0x49: {  	[sflag:s12] =	ssyncset.done $0x0  }
0x4a: {  	[sflag:s12] =	ssyncadd.s32 $0xFFFFD800  }
0x4b: {  	_ =	sfence.sel $0x180000  }
0x4c: {  	[bflag:$0x0] =	sbarrier.arrive $0xFFFF  }
0x4d: {  	p0 =	sne.s32 s2, $0x0;
	_ =	strace $0x90000050  }
0x4e: {  	s0 =	sadd.s32 @!p0 $0x100000, s1;
	[bflag:$0x2] =	sbarrier.arrive $0xFFFF  }
0x4f: {  	[sflag:s0] =	ssyncadd.tile.s32 @!p0 $0x1;
	_ =	shalt  }
.Lfunc_end2:
_tile_overlayer_lowered:
.L_overlay_start_2:
0x50: {  	(tag) =	ssettag $0x2  }
0x51: {  	s0 =	rddreg [dreg:$0x0];
	s2 =	stileid.u32  }
0x52: {  	s1 =	rddreg [dreg:$0x1];
	p0 =	sne.s32 s2, $0x0  }
0x53: {  	s3 =	rddreg [dreg:$0x2];
	[bflag:$0x3] =	sbarrier.arrive $0xFFFF;
	s2 =	simm.s32 @!p0 $0x1C02  }
0x54: {  	[timem:s3], [sflag:s2] =	dma.local @!p0 [hbm:s0], s1  }
0x55: {  	s0 =	simm.s32 @!p0 $0x2  }
0x56: {  	_ =	swait.ge @!p0 [sflag:s0], s1  }
0x57: {  	s1 =	ssub.s32 @!p0 $0x0, s1;
	[sflag:s0] =	ssyncset.done @!p0 $0x0  }
0x58: {  	[sflag:s0] =	ssyncadd.s32 @!p0 s1  }
0x59: {  	[bflag:$0x3] =	sbarrier.arrive $0xFFFF  }
0x5a: {  	_ =	shalt  }

</sc_bundles>
